<compile_context>
chip_gen: v7x
topology: tpu7x:2x2x1
jax: 0.10.2.dev20260603
libtpu: 0.0.44.dev20260713+nightly
codegen_flags: <defaults>
</compile_context>

<pallas_src>
import functools

import jax
import jax.numpy as jnp
from jax import lax
from jax.experimental import pallas as pl
from jax.experimental.pallas import tpu as pltpu
from jax.experimental.pallas import tpu_sc as plsc

H = 7
W = 7
SCALE = 1.0 / 16.0

NC = 2
NS = 16
G = 24


def _sc_pool(table, idx, n_rows, d, n_table_rows):
  dw = d // NC
  rows_per_sub = n_rows // NS
  n_chunks = rows_per_sub // G
  stage_rows = -(-n_table_rows // (NS * 16)) * 16
  last_rows = n_table_rows - (NS - 1) * stage_rows
  mesh = plsc.VectorSubcoreMesh(core_axis_name="c", subcore_axis_name="s")

  @functools.partial(
      pl.kernel,
      mesh=mesh,
      out_type=jax.ShapeDtypeStruct((NC, n_rows, dw), jnp.float32),
      scratch_types=[
          pltpu.VMEM_SHARED((n_table_rows, dw), jnp.float32),
          pltpu.VMEM((n_chunks * 2 * G,), jnp.int32),
          pltpu.VMEM((n_chunks * 4 * G,), jnp.int32),
          pltpu.VMEM((4 * G, dw), jnp.float32),
          pltpu.VMEM((4 * G, dw), jnp.float32),
          pltpu.VMEM((G, dw), jnp.float32),
          pltpu.VMEM((G, dw), jnp.float32),
          pltpu.SemaphoreType.DMA,
          pltpu.SemaphoreType.DMA,
          pltpu.SemaphoreType.DMA,
      ],
  )
  def k(table_hbm, idx_hbm, out_hbm, tspm, widx, idxv, gb0, gb1, ob0, ob1,
        sem0, sem1, wsem):
    cid = lax.axis_index("c")
    sid = lax.axis_index("s")
    base = sid * rows_per_sub

    @pl.when(sid < NS - 1)
    def _():
      pltpu.sync_copy(table_hbm.at[cid, pl.ds(sid * stage_rows, stage_rows)],
                      tspm.at[pl.ds(sid * stage_rows, stage_rows)])

    @pl.when(sid == NS - 1)
    def _():
      pltpu.sync_copy(
          table_hbm.at[cid, pl.ds((NS - 1) * stage_rows, last_rows)],
          tspm.at[pl.ds((NS - 1) * stage_rows, last_rows)])

    plsc.subcore_barrier()

    pltpu.sync_copy(idx_hbm.at[sid], widx)

    def expand(t, _):
      v = widx[pl.ds(t * 16, 16)]
      idxv[pl.ds(t * 32, 16)] = jnp.bitwise_and(v, 0xFFFF)
      idxv[pl.ds(t * 32 + 16, 16)] = jnp.right_shift(v, 16)
      return 0

    lax.fori_loop(0, n_chunks * 2 * G // 16, expand, 0)

    def islice(ci):
      return idxv.at[pl.ds(ci * 4 * G, 4 * G)]

    def compute(gb, ob):
      def row(g, _):
        for j in range(dw // 16):
          sl = pl.ds(j * 16, 16)
          a = jnp.maximum(gb[4 * g, sl], gb[4 * g + 1, sl])
          b = jnp.maximum(gb[4 * g + 2, sl], gb[4 * g + 3, sl])
          ob[g, sl] = jnp.maximum(a, b)
        return 0

      lax.fori_loop(0, G, row, 0)

    def drain_write(ob):
      pltpu.make_async_copy(ob, out_hbm.at[cid, pl.ds(base, G)], wsem).wait()

    pltpu.async_copy(tspm.at[islice(0)], gb0, sem0)

    def pair(p, _):
      e = 2 * p
      pltpu.async_copy(tspm.at[islice(e + 1)], gb1, sem1)
      pltpu.make_async_copy(tspm.at[islice(e)], gb0, sem0).wait()

      @pl.when(p > 0)
      def _():
        drain_write(ob0)

      compute(gb0, ob0)
      pltpu.async_copy(ob0, out_hbm.at[cid, pl.ds(base + e * G, G)], wsem)

      @pl.when(e + 2 < n_chunks)
      def _():
        pltpu.async_copy(tspm.at[islice(e + 2)], gb0, sem0)

      pltpu.make_async_copy(tspm.at[islice(e + 1)], gb1, sem1).wait()

      @pl.when(p > 0)
      def _():
        drain_write(ob1)

      compute(gb1, ob1)
      pltpu.async_copy(
          ob1, out_hbm.at[cid, pl.ds(base + (e + 1) * G, G)], wsem)
      return 0

    lax.fori_loop(0, n_chunks // 2, pair, 0)
    drain_write(ob0)
    drain_write(ob1)

  return k(table, idx)


def kernel(x, rois):
  n, c, h, w = x.shape
  r = rois.shape[0]
  nout = r * H * W
  rows_per_sub = -(-nout // (NS * G)) * G
  n_rows = rows_per_sub * NS
  n_chunks = rows_per_sub // G

  zrow = n * h * w
  nrow = zrow + 1
  n_table_rows = -(-(zrow + 2) // 16) * 16
  xt = x.transpose(0, 2, 3, 1).reshape(n * h * w, c)
  table = jnp.concatenate(
      [xt,
       jnp.zeros((1, c), jnp.float32),
       jnp.full((1, c), -jnp.inf, jnp.float32),
       jnp.zeros((n_table_rows - zrow - 2, c), jnp.float32)], axis=0)
  table = table.reshape(n_table_rows, NC, c // NC).transpose(1, 0, 2)

  b = rois[:, 0].astype(jnp.int32)
  bb = jnp.round(rois[:, 1:5] * SCALE).astype(jnp.int32)
  y1, x1, y2, x2 = bb[:, 0], bb[:, 1], bb[:, 2], bb[:, 3]
  ft_h = y2 - y1 + 1
  ft_w = x2 - x1 + 1
  hp = ((ft_h + H - 1) // H) * H
  wp = ((ft_w + W - 1) // W) * W

  rr = 7 * jnp.arange(2)[:, None] + jnp.arange(7)[None, :]
  cc = rr
  rowv = rr[None] < ft_h[:, None, None]
  rowp = rr[None] < hp[:, None, None]
  colv = cc[None] < ft_w[:, None, None]
  colp = cc[None] < wp[:, None, None]
  absr = y1[:, None, None] + rr[None]
  absc = x1[:, None, None] + cc[None]

  valid = rowv[:, :, :, None, None] & colv[:, None, None, :, :]
  inpad = rowp[:, :, :, None, None] & colp[:, None, None, :, :]
  flat = (b[:, None, None, None, None] * (h * w)
          + absr[:, :, :, None, None] * w
          + absc[:, None, None, :, :])
  idx = jnp.where(valid, flat, jnp.where(inpad, zrow, nrow)).astype(jnp.int32)
  idx = idx.transpose(0, 2, 4, 1, 3).reshape(nout, 4)
  idx = jnp.pad(idx, ((0, n_rows - nout), (0, 0)), constant_values=zrow)
  idx = idx.reshape(NS, n_chunks * 4 * G // 32, 2, 16)
  idx = idx[:, :, 0, :] | (idx[:, :, 1, :] << 16)
  idx = idx.reshape(NS, n_chunks * 2 * G)

  out = _sc_pool(table, idx, n_rows, c, n_table_rows)
  out = out.transpose(1, 0, 2).reshape(n_rows, c)[:nout]
  return out.reshape(r, H, W, c).transpose(0, 3, 1, 2)

# --- scband reference (transcript-rebuilt; emitter-appended) ---
"""Pipeline reference for scband-ro-ipooling-layer-34342558499068 (READ-ONLY COPY).

The authoritative reference and input builder live on the scoring server;
editing this copy changes nothing except your own understanding.
"""

import jax, jax.numpy as jnp
import numpy as np

H = 7
W = 7
SCALE = 1.0 / 16.0


def setup_inputs(seed: int = 0) -> dict:
    key = jax.random.key(seed)
    kx, _ = jax.random.split(key)
    x = jax.random.normal(kx, (4, 256, 50, 50), dtype=jnp.float32)
    rng = np.random.default_rng(0)
    R = 1000
    bidx = rng.integers(0, 4, size=R).astype(np.float32)
    y1 = rng.uniform(0.0, 600.0, size=R)
    x1 = rng.uniform(0.0, 600.0, size=R)
    hbox = rng.uniform(32.0, 180.0, size=R)
    wbox = rng.uniform(32.0, 180.0, size=R)
    y2 = np.minimum(y1 + hbox, 784.0)
    x2 = np.minimum(x1 + wbox, 784.0)
    # column order matches module: [batch_idx, y1, x1, y2, x2]
    rois = np.stack([bidx, y1, x1, y2, x2], axis=1).astype(np.float32)
    return {"x": x, "rois": jnp.asarray(rois)}


def reference(x, rois):
    n, c, h, w = x.shape
    indices = rois[:, 0].astype(jnp.int32)
    bboxes = jnp.round(rois[:, 1:5] * SCALE).astype(jnp.int32)
    PH = ((h + H - 1) // H) * H
    PW = ((w + W - 1) // W) * W
    xp = jnp.pad(x, ((0, 0), (0, 0), (0, PH), (0, PW)), mode="constant", constant_values=0.0)
    row_ids = jnp.arange(PH)[:, None]
    col_ids = jnp.arange(PW)[None, :]

    def pool_one(args):
        b, y1, x1_, y2, x2_ = args
        ft_h = y2 - y1 + 1
        ft_w = x2_ - x1_ + 1
        num_window_h = (ft_h + H - 1) // H
        num_window_w = (ft_w + W - 1) // W
        hp = num_window_h * H
        wp = num_window_w * W
        patch = jax.lax.dynamic_slice(xp, (b, 0, y1, x1_), (1, c, PH, PW))[0]
        valid = (row_ids < ft_h) & (col_ids < ft_w)
        inpad = (row_ids < hp) & (col_ids < wp)
        vals = jnp.where(valid, patch, jnp.where(inpad, 0.0, -jnp.inf))
        win = vals.reshape(c, PH // H, H, PW // W, W)
        return jnp.max(win, axis=(1, 3))

    args = (indices, bboxes[:, 0], bboxes[:, 1], bboxes[:, 2], bboxes[:, 3])
    return jax.lax.map(pool_one, args)

if __name__ == "__main__":
    import jax
    _d = setup_inputs()
    print(jax.jit(kernel)(*tuple(_d.values())))

</pallas_src>

<mosaic_0001>
#map = affine_map<(d0, d1) -> (0, 0, 0)>
#map1 = affine_map<(d0, d1) -> (0, 0)>
module attributes {stable_mosaic.version = 14 : i64} {
  func.func @k(%arg0: i32, %arg1: i32, %arg2: memref<2x10016x128xf32, #tpu.memory_space<hbm>>, %arg3: memref<16x6144xi32, #tpu.memory_space<hbm>>, %arg4: memref<2x49152x128xf32, #tpu.memory_space<hbm>>, %arg5: memref<10016x128xf32, #tpu.memory_space<vmem_shared>>, %arg6: memref<6144xi32, #tpu.memory_space<vmem>>, %arg7: memref<12288xi32, #tpu.memory_space<vmem>>, %arg8: memref<96x128xf32, #tpu.memory_space<vmem>>, %arg9: memref<96x128xf32, #tpu.memory_space<vmem>>, %arg10: memref<24x128xf32, #tpu.memory_space<vmem>>, %arg11: memref<24x128xf32, #tpu.memory_space<vmem>>, %arg12: memref<!tpu.dma_semaphore, #tpu.memory_space<semaphore_mem>>, %arg13: memref<!tpu.dma_semaphore, #tpu.memory_space<semaphore_mem>>, %arg14: memref<!tpu.dma_semaphore, #tpu.memory_space<semaphore_mem>>) attributes {dimension_semantics = [#tpu.dimension_semantics<core_parallel>, #tpu.dimension_semantics<subcore_parallel>], iteration_bounds = array<i64: 2, 16>, scalar_prefetch = 0 : i64, scratch_operands = 10 : i64, tpu.core_type = #tpu.core_type<sc_vector_subcore>, window_params = [{transform_indices = #map}, {transform_indices = #map1}, {transform_indices = #map}]} {
    %mul3A = arith.constant 3072 : i32
    %mul3A_0 = arith.muli %arg1, %mul3A : i32
    %lt3A = arith.constant 15 : i32
    %lt3A_1 = arith.cmpi slt, %arg1, %lt3A : i32
    %convert_element_type3A = arith.extui %lt3A_1 : i1 to i32
    %cond3A = arith.constant 0 : i32
    %cond3A_2 = arith.cmpi ne, %convert_element_type3A, %cond3A : i32
    scf.if %cond3A_2 {
      %mul3A_35 = arith.constant 640 : i32
      %mul3A_36 = arith.muli %arg1, %mul3A_35 : i32
      %mul3A_37 = arith.constant 640 : i32
      %mul3A_38 = arith.muli %arg1, %mul3A_37 : i32
      "tpu.region"() ({
        %run_scoped3A = tpu.sem_alloc : memref<!tpu.dma_semaphore, #tpu.memory_space<semaphore_mem>>
        %dma_start3A_39 = arith.constant 0 : i32
        %dma_start3A_40 = tpu.memref_slice %arg5[%mul3A_38, %dma_start3A_39] : memref<10016x128xf32, #tpu.memory_space<vmem_shared>> -> memref<640x128xf32, #tpu.memory_space<vmem_shared>>
        %dma_start3A_41 = arith.constant 0 : i32
        %dma_start3A_42 = tpu.memref_slice %arg2[%arg0, %mul3A_36, %dma_start3A_41] : memref<2x10016x128xf32, #tpu.memory_space<hbm>> -> memref<1x640x128xf32, #tpu.memory_space<hbm>>
        %dma_start3A_43 = tpu.memref_squeeze %dma_start3A_42 : memref<1x640x128xf32, #tpu.memory_space<hbm>> -> memref<640x128xf32, #tpu.memory_space<hbm>>
        tpu.enqueue_dma source(%dma_start3A_43 : memref<640x128xf32, #tpu.memory_space<hbm>>) target(%dma_start3A_40 : memref<640x128xf32, #tpu.memory_space<vmem_shared>>) target_semaphore(%run_scoped3A : memref<!tpu.dma_semaphore, #tpu.memory_space<semaphore_mem>>)
        %dma_wait3A_44 = arith.constant 0 : i32
        %dma_wait3A_45 = tpu.memref_slice %arg5[%mul3A_38, %dma_wait3A_44] : memref<10016x128xf32, #tpu.memory_space<vmem_shared>> -> memref<640x128xf32, #tpu.memory_space<vmem_shared>>
        %dma_wait3A_46 = arith.constant 0 : i32
        %dma_wait3A_47 = tpu.memref_slice %arg2[%arg0, %mul3A_36, %dma_wait3A_46] : memref<2x10016x128xf32, #tpu.memory_space<hbm>> -> memref<1x640x128xf32, #tpu.memory_space<hbm>>
        %dma_wait3A_48 = tpu.memref_squeeze %dma_wait3A_47 : memref<1x640x128xf32, #tpu.memory_space<hbm>> -> memref<640x128xf32, #tpu.memory_space<hbm>>
        tpu.wait_dma2 semaphore(%run_scoped3A : memref<!tpu.dma_semaphore, #tpu.memory_space<semaphore_mem>>) src(%dma_wait3A_48 : memref<640x128xf32, #tpu.memory_space<hbm>>) dst(%dma_wait3A_45 : memref<640x128xf32, #tpu.memory_space<vmem_shared>>)
        tpu.yield
      }) : () -> ()
    } else {
    }
    %eq3A = arith.constant 15 : i32
    %eq3A_3 = arith.cmpi eq, %arg1, %eq3A : i32
    %convert_element_type3A_4 = arith.extui %eq3A_3 : i1 to i32
    %cond3A_5 = arith.constant 0 : i32
    %cond3A_6 = arith.cmpi ne, %convert_element_type3A_4, %cond3A_5 : i32
    scf.if %cond3A_6 {
      "tpu.region"() ({
        %run_scoped3A = tpu.sem_alloc : memref<!tpu.dma_semaphore, #tpu.memory_space<semaphore_mem>>
        %dma_start3A_35 = arith.constant 9600 : i32
        %dma_start3A_36 = arith.constant 0 : i32
        %dma_start3A_37 = tpu.memref_slice %arg5[%dma_start3A_35, %dma_start3A_36] : memref<10016x128xf32, #tpu.memory_space<vmem_shared>> -> memref<416x128xf32, #tpu.memory_space<vmem_shared>>
        %dma_start3A_38 = arith.constant 9600 : i32
        %dma_start3A_39 = arith.constant 0 : i32
        %dma_start3A_40 = tpu.memref_slice %arg2[%arg0, %dma_start3A_38, %dma_start3A_39] : memref<2x10016x128xf32, #tpu.memory_space<hbm>> -> memref<1x416x128xf32, #tpu.memory_space<hbm>>
        %dma_start3A_41 = tpu.memref_squeeze %dma_start3A_40 : memref<1x416x128xf32, #tpu.memory_space<hbm>> -> memref<416x128xf32, #tpu.memory_space<hbm>>
        tpu.enqueue_dma source(%dma_start3A_41 : memref<416x128xf32, #tpu.memory_space<hbm>>) target(%dma_start3A_37 : memref<416x128xf32, #tpu.memory_space<vmem_shared>>) target_semaphore(%run_scoped3A : memref<!tpu.dma_semaphore, #tpu.memory_space<semaphore_mem>>)
        %dma_wait3A_42 = arith.constant 9600 : i32
        %dma_wait3A_43 = arith.constant 0 : i32
        %dma_wait3A_44 = tpu.memref_slice %arg5[%dma_wait3A_42, %dma_wait3A_43] : memref<10016x128xf32, #tpu.memory_space<vmem_shared>> -> memref<416x128xf32, #tpu.memory_space<vmem_shared>>
        %dma_wait3A_45 = arith.constant 9600 : i32
        %dma_wait3A_46 = arith.constant 0 : i32
        %dma_wait3A_47 = tpu.memref_slice %arg2[%arg0, %dma_wait3A_45, %dma_wait3A_46] : memref<2x10016x128xf32, #tpu.memory_space<hbm>> -> memref<1x416x128xf32, #tpu.memory_space<hbm>>
        %dma_wait3A_48 = tpu.memref_squeeze %dma_wait3A_47 : memref<1x416x128xf32, #tpu.memory_space<hbm>> -> memref<416x128xf32, #tpu.memory_space<hbm>>
        tpu.wait_dma2 semaphore(%run_scoped3A : memref<!tpu.dma_semaphore, #tpu.memory_space<semaphore_mem>>) src(%dma_wait3A_48 : memref<416x128xf32, #tpu.memory_space<hbm>>) dst(%dma_wait3A_44 : memref<416x128xf32, #tpu.memory_space<vmem_shared>>)
        tpu.yield
      }) : () -> ()
    } else {
    }
    %barrier3A = arith.constant 0 : index
    tpu.barrier barrier_id(%barrier3A)
    "tpu.region"() ({
      %run_scoped3A = tpu.sem_alloc : memref<!tpu.dma_semaphore, #tpu.memory_space<semaphore_mem>>
      %dma_start3A_35 = arith.constant 0 : i32
      %dma_start3A_36 = tpu.memref_slice %arg3[%arg1, %dma_start3A_35] : memref<16x6144xi32, #tpu.memory_space<hbm>> -> memref<1x6144xi32, #tpu.memory_space<hbm>>
      %dma_start3A_37 = tpu.memref_squeeze %dma_start3A_36 : memref<1x6144xi32, #tpu.memory_space<hbm>> -> memref<6144xi32, #tpu.memory_space<hbm>>
      %dma_start3A_38 = arith.constant 0 : i32
      %dma_start3A_39 = tpu.memref_slice %arg3[%arg1, %dma_start3A_38] : memref<16x6144xi32, #tpu.memory_space<hbm>> -> memref<1x6144xi32, #tpu.memory_space<hbm>>
      %dma_start3A_40 = tpu.memref_squeeze %dma_start3A_39 : memref<1x6144xi32, #tpu.memory_space<hbm>> -> memref<6144xi32, #tpu.memory_space<hbm>>
      tpu.enqueue_dma source(%dma_start3A_40 : memref<6144xi32, #tpu.memory_space<hbm>>) target(%arg6 : memref<6144xi32, #tpu.memory_space<vmem>>) target_semaphore(%run_scoped3A : memref<!tpu.dma_semaphore, #tpu.memory_space<semaphore_mem>>)
      %dma_wait3A_41 = arith.constant 0 : i32
      %dma_wait3A_42 = tpu.memref_slice %arg3[%arg1, %dma_wait3A_41] : memref<16x6144xi32, #tpu.memory_space<hbm>> -> memref<1x6144xi32, #tpu.memory_space<hbm>>
      %dma_wait3A_43 = tpu.memref_squeeze %dma_wait3A_42 : memref<1x6144xi32, #tpu.memory_space<hbm>> -> memref<6144xi32, #tpu.memory_space<hbm>>
      %dma_wait3A_44 = arith.constant 0 : i32
      %dma_wait3A_45 = tpu.memref_slice %arg3[%arg1, %dma_wait3A_44] : memref<16x6144xi32, #tpu.memory_space<hbm>> -> memref<1x6144xi32, #tpu.memory_space<hbm>>
      %dma_wait3A_46 = tpu.memref_squeeze %dma_wait3A_45 : memref<1x6144xi32, #tpu.memory_space<hbm>> -> memref<6144xi32, #tpu.memory_space<hbm>>
      tpu.wait_dma2 semaphore(%run_scoped3A : memref<!tpu.dma_semaphore, #tpu.memory_space<semaphore_mem>>) src(%dma_wait3A_46 : memref<6144xi32, #tpu.memory_space<hbm>>) dst(%arg6 : memref<6144xi32, #tpu.memory_space<vmem>>)
      tpu.yield
    }) : () -> ()
    %scan3A = arith.constant 0 : i32
    %scan3A_7 = arith.constant 0 : i32
    %scan3A_8 = arith.constant 384 : i32
    %scan3A_9 = arith.addi %scan3A_7, %scan3A_8 : i32
    %scan3A_10 = arith.constant 1 : i32
    %scan3A_11 = scf.for %scan3A_35 = %scan3A_7 to %scan3A_9 step %scan3A_10 iter_args(%scan3A_36 = %scan3A) -> (i32)  : i32 {
      %mul3A_37 = arith.constant 16 : i32
      %mul3A_38 = arith.muli %scan3A_35, %mul3A_37 : i32
      %get3A = arith.index_cast %mul3A_38 : i32 to index
      %get3A_39 = tpu.vector_load %arg6[%get3A] {strides = array<i32>} : memref<6144xi32, #tpu.memory_space<vmem>>, vector<16xi32>,
      %get3A_40 = vector.shape_cast %get3A_39 : vector<16xi32> to vector<16xi32>
      %and3A = arith.constant 65535 : i32
      %and3A_41 = vector.broadcast %and3A : i32 to vector<16xi32>
      %and3A_42 = arith.andi %get3A_40, %and3A_41 : vector<16xi32>
      %mul3A_43 = arith.constant 32 : i32
      %mul3A_44 = arith.muli %scan3A_35, %mul3A_43 : i32
      %swap3A = arith.index_cast %mul3A_44 : i32 to index
      %swap3A_45 = tpu.vector_load %arg7[%swap3A] {strides = array<i32>} : memref<12288xi32, #tpu.memory_space<vmem>>, vector<16xi32>,
      %swap3A_46 = vector.shape_cast %swap3A_45 : vector<16xi32> to vector<16xi32>
      %swap3A_47 = vector.shape_cast %and3A_42 : vector<16xi32> to vector<16xi32>
      tpu.vector_store %arg7[%swap3A], %swap3A_47 {strides = array<i32>} : memref<12288xi32, #tpu.memory_space<vmem>>, vector<16xi32>,
      %shift_right_arithmetic3A = arith.constant 16 : i32
      %shift_right_arithmetic3A_48 = vector.broadcast %shift_right_arithmetic3A : i32 to vector<16xi32>
      %shift_right_arithmetic3A_49 = arith.shrsi %get3A_40, %shift_right_arithmetic3A_48 : vector<16xi32>
      %mul3A_50 = arith.constant 32 : i32
      %mul3A_51 = arith.muli %scan3A_35, %mul3A_50 : i32
      %add3A = arith.constant 16 : i32
      %add3A_52 = arith.addi %mul3A_51, %add3A : i32
      %swap3A_53 = arith.index_cast %add3A_52 : i32 to index
      %swap3A_54 = tpu.vector_load %arg7[%swap3A_53] {strides = array<i32>} : memref<12288xi32, #tpu.memory_space<vmem>>, vector<16xi32>,
      %swap3A_55 = vector.shape_cast %swap3A_54 : vector<16xi32> to vector<16xi32>
      %swap3A_56 = vector.shape_cast %shift_right_arithmetic3A_49 : vector<16xi32> to vector<16xi32>
      tpu.vector_store %arg7[%swap3A_53], %swap3A_56 {strides = array<i32>} : memref<12288xi32, #tpu.memory_space<vmem>>, vector<16xi32>,
      %scan3A_57 = arith.constant 0 : i32
      scf.yield %scan3A_57 : i32
    }
    %scan3A_12 = arith.constant 384 : i32
    %dma_start3A = arith.constant 0 : i32
    %dma_start3A_13 = tpu.memref_slice %arg7[%dma_start3A] : memref<12288xi32, #tpu.memory_space<vmem>> -> memref<96xi32, #tpu.memory_space<vmem>>
    %dma_start3A_14 = arith.constant 0 : i32
    %dma_start3A_15 = arith.constant 0 : i32
    %dma_start3A_16 = tpu.memref_slice %arg5[%dma_start3A_14, %dma_start3A_15] : memref<10016x128xf32, #tpu.memory_space<vmem_shared>> -> memref<10016x128xf32, #tpu.memory_space<vmem_shared>>
    tpu.enqueue_indirect_dma source(%dma_start3A_16 : memref<10016x128xf32, #tpu.memory_space<vmem_shared>>) target(%arg8 : memref<96x128xf32, #tpu.memory_space<vmem>>) offsets(%dma_start3A_13 : memref<96xi32, #tpu.memory_space<vmem>>) semaphore(%arg12 : memref<!tpu.dma_semaphore, #tpu.memory_space<semaphore_mem>>)
    %scan3A_17 = arith.constant 0 : i32
    %scan3A_18 = arith.constant 0 : i32
    %scan3A_19 = arith.constant 64 : i32
    %scan3A_20 = arith.addi %scan3A_18, %scan3A_19 : i32
    %scan3A_21 = arith.constant 1 : i32
    %scan3A_22 = scf.for %scan3A_35 = %scan3A_18 to %scan3A_20 step %scan3A_21 iter_args(%scan3A_36 = %scan3A_17) -> (i32)  : i32 {
      %mul3A_37 = arith.constant 2 : i32
      %mul3A_38 = arith.muli %mul3A_37, %scan3A_35 : i32
      %add3A = arith.constant 1 : i32
      %add3A_39 = arith.addi %mul3A_38, %add3A : i32
      %mul3A_40 = arith.constant 4 : i32
      %mul3A_41 = arith.muli %add3A_39, %mul3A_40 : i32
      %mul3A_42 = arith.constant 24 : i32
      %mul3A_43 = arith.muli %mul3A_41, %mul3A_42 : i32
      %dma_start3A_44 = tpu.memref_slice %arg7[%mul3A_43] : memref<12288xi32, #tpu.memory_space<vmem>> -> memref<96xi32, #tpu.memory_space<vmem>>
      %dma_start3A_45 = arith.constant 0 : i32
      %dma_start3A_46 = arith.constant 0 : i32
      %dma_start3A_47 = tpu.memref_slice %arg5[%dma_start3A_45, %dma_start3A_46] : memref<10016x128xf32, #tpu.memory_space<vmem_shared>> -> memref<10016x128xf32, #tpu.memory_space<vmem_shared>>
      tpu.enqueue_indirect_dma source(%dma_start3A_47 : memref<10016x128xf32, #tpu.memory_space<vmem_shared>>) target(%arg9 : memref<96x128xf32, #tpu.memory_space<vmem>>) offsets(%dma_start3A_44 : memref<96xi32, #tpu.memory_space<vmem>>) semaphore(%arg13 : memref<!tpu.dma_semaphore, #tpu.memory_space<semaphore_mem>>)
      %mul3A_48 = arith.constant 4 : i32
      %mul3A_49 = arith.muli %mul3A_38, %mul3A_48 : i32
      %mul3A_50 = arith.constant 24 : i32
      %mul3A_51 = arith.muli %mul3A_49, %mul3A_50 : i32
      %dma_wait3A_52 = tpu.memref_slice %arg7[%mul3A_51] : memref<12288xi32, #tpu.memory_space<vmem>> -> memref<96xi32, #tpu.memory_space<vmem>>
      %dma_wait3A_53 = arith.constant 0 : i32
      %dma_wait3A_54 = arith.constant 0 : i32
      %dma_wait3A_55 = tpu.memref_slice %arg5[%dma_wait3A_53, %dma_wait3A_54] : memref<10016x128xf32, #tpu.memory_space<vmem_shared>> -> memref<10016x128xf32, #tpu.memory_space<vmem_shared>>
      tpu.wait_indirect_dma semaphore(%arg12 : memref<!tpu.dma_semaphore, #tpu.memory_space<semaphore_mem>>) src(%dma_wait3A_55 : memref<10016x128xf32, #tpu.memory_space<vmem_shared>>) dst(%arg8 : memref<96x128xf32, #tpu.memory_space<vmem>>)
      %gt3A = arith.constant 0 : i32
      %gt3A_56 = arith.cmpi sgt, %scan3A_35, %gt3A : i32
      %convert_element_type3A_57 = arith.extui %gt3A_56 : i1 to i32
      %cond3A_58 = arith.constant 0 : i32
      %cond3A_59 = arith.cmpi ne, %convert_element_type3A_57, %cond3A_58 : i32
      scf.if %cond3A_59 {
        %dma_wait3A_117 = arith.constant 0 : i32
        %dma_wait3A_118 = tpu.memref_slice %arg4[%arg0, %mul3A_0, %dma_wait3A_117] : memref<2x49152x128xf32, #tpu.memory_space<hbm>> -> memref<1x24x128xf32, #tpu.memory_space<hbm>>
        %dma_wait3A_119 = tpu.memref_squeeze %dma_wait3A_118 : memref<1x24x128xf32, #tpu.memory_space<hbm>> -> memref<24x128xf32, #tpu.memory_space<hbm>>
        %dma_wait3A_120 = arith.constant 0 : i32
        %dma_wait3A_121 = tpu.memref_slice %arg4[%arg0, %mul3A_0, %dma_wait3A_120] : memref<2x49152x128xf32, #tpu.memory_space<hbm>> -> memref<1x24x128xf32, #tpu.memory_space<hbm>>
        %dma_wait3A_122 = tpu.memref_squeeze %dma_wait3A_121 : memref<1x24x128xf32, #tpu.memory_space<hbm>> -> memref<24x128xf32, #tpu.memory_space<hbm>>
        tpu.wait_dma2 semaphore(%arg14 : memref<!tpu.dma_semaphore, #tpu.memory_space<semaphore_mem>>) src(%arg10 : memref<24x128xf32, #tpu.memory_space<vmem>>) dst(%dma_wait3A_122 : memref<24x128xf32, #tpu.memory_space<hbm>>)
      } else {
      }
      %scan3A_60 = arith.constant 0 : i32
      %scan3A_61 = arith.constant 0 : i32
      %scan3A_62 = arith.constant 24 : i32
      %scan3A_63 = arith.addi %scan3A_61, %scan3A_62 : i32
      %scan3A_64 = arith.constant 1 : i32
      %scan3A_65 = scf.for %scan3A_117 = %scan3A_61 to %scan3A_63 step %scan3A_64 iter_args(%scan3A_118 = %scan3A_60) -> (i32)  : i32 {
        %mul3A_119 = arith.constant 4 : i32
        %mul3A_120 = arith.muli %mul3A_119, %scan3A_117 : i32
        %get3A = arith.index_cast %mul3A_120 : i32 to index
        %get3A_121 = arith.constant 0 : index
        %get3A_122 = tpu.vector_load %arg8[%get3A, %get3A_121] {strides = array<i32>} : memref<96x128xf32, #tpu.memory_space<vmem>>, vector<1x16xf32>,
        %get3A_123 = vector.shape_cast %get3A_122 : vector<1x16xf32> to vector<16xf32>
        %mul3A_124 = arith.constant 4 : i32
        %mul3A_125 = arith.muli %mul3A_124, %scan3A_117 : i32
        %add3A_126 = arith.constant 1 : i32
        %add3A_127 = arith.addi %mul3A_125, %add3A_126 : i32
        %get3A_128 = arith.index_cast %add3A_127 : i32 to index
        %get3A_129 = arith.constant 0 : index
        %get3A_130 = tpu.vector_load %arg8[%get3A_128, %get3A_129] {strides = array<i32>} : memref<96x128xf32, #tpu.memory_space<vmem>>, vector<1x16xf32>,
        %get3A_131 = vector.shape_cast %get3A_130 : vector<1x16xf32> to vector<16xf32>
        %max3A = arith.maximumf %get3A_123, %get3A_131 : vector<16xf32>
        %mul3A_132 = arith.constant 4 : i32
        %mul3A_133 = arith.muli %mul3A_132, %scan3A_117 : i32
        %add3A_134 = arith.constant 2 : i32
        %add3A_135 = arith.addi %mul3A_133, %add3A_134 : i32
        %get3A_136 = arith.index_cast %add3A_135 : i32 to index
        %get3A_137 = arith.constant 0 : index
        %get3A_138 = tpu.vector_load %arg8[%get3A_136, %get3A_137] {strides = array<i32>} : memref<96x128xf32, #tpu.memory_space<vmem>>, vector<1x16xf32>,
        %get3A_139 = vector.shape_cast %get3A_138 : vector<1x16xf32> to vector<16xf32>
        %mul3A_140 = arith.constant 4 : i32
        %mul3A_141 = arith.muli %mul3A_140, %scan3A_117 : i32
        %add3A_142 = arith.constant 3 : i32
        %add3A_143 = arith.addi %mul3A_141, %add3A_142 : i32
        %get3A_144 = arith.index_cast %add3A_143 : i32 to index
        %get3A_145 = arith.constant 0 : index
        %get3A_146 = tpu.vector_load %arg8[%get3A_144, %get3A_145] {strides = array<i32>} : memref<96x128xf32, #tpu.memory_space<vmem>>, vector<1x16xf32>,
        %get3A_147 = vector.shape_cast %get3A_146 : vector<1x16xf32> to vector<16xf32>
        %max3A_148 = arith.maximumf %get3A_139, %get3A_147 : vector<16xf32>
        %max3A_149 = arith.maximumf %max3A, %max3A_148 : vector<16xf32>
        %swap3A = arith.index_cast %scan3A_117 : i32 to index
        %swap3A_150 = arith.constant 0 : index
        %swap3A_151 = tpu.vector_load %arg10[%swap3A, %swap3A_150] {strides = array<i32>} : memref<24x128xf32, #tpu.memory_space<vmem>>, vector<1x16xf32>,
        %swap3A_152 = vector.shape_cast %swap3A_151 : vector<1x16xf32> to vector<16xf32>
        %swap3A_153 = vector.shape_cast %max3A_149 : vector<16xf32> to vector<1x16xf32>
        tpu.vector_store %arg10[%swap3A, %swap3A_150], %swap3A_153 {strides = array<i32>} : memref<24x128xf32, #tpu.memory_space<vmem>>, vector<1x16xf32>,
        %mul3A_154 = arith.constant 4 : i32
        %mul3A_155 = arith.muli %mul3A_154, %scan3A_117 : i32
        %get3A_156 = arith.index_cast %mul3A_155 : i32 to index
        %get3A_157 = arith.constant 16 : index
        %get3A_158 = tpu.vector_load %arg8[%get3A_156, %get3A_157] {strides = array<i32>} : memref<96x128xf32, #tpu.memory_space<vmem>>, vector<1x16xf32>,
        %get3A_159 = vector.shape_cast %get3A_158 : vector<1x16xf32> to vector<16xf32>
        %mul3A_160 = arith.constant 4 : i32
        %mul3A_161 = arith.muli %mul3A_160, %scan3A_117 : i32
        %add3A_162 = arith.constant 1 : i32
        %add3A_163 = arith.addi %mul3A_161, %add3A_162 : i32
        %get3A_164 = arith.index_cast %add3A_163 : i32 to index
        %get3A_165 = arith.constant 16 : index
        %get3A_166 = tpu.vector_load %arg8[%get3A_164, %get3A_165] {strides = array<i32>} : memref<96x128xf32, #tpu.memory_space<vmem>>, vector<1x16xf32>,
        %get3A_167 = vector.shape_cast %get3A_166 : vector<1x16xf32> to vector<16xf32>
        %max3A_168 = arith.maximumf %get3A_159, %get3A_167 : vector<16xf32>
        %mul3A_169 = arith.constant 4 : i32
        %mul3A_170 = arith.muli %mul3A_169, %scan3A_117 : i32
        %add3A_171 = arith.constant 2 : i32
        %add3A_172 = arith.addi %mul3A_170, %add3A_171 : i32
        %get3A_173 = arith.index_cast %add3A_172 : i32 to index
        %get3A_174 = arith.constant 16 : index
        %get3A_175 = tpu.vector_load %arg8[%get3A_173, %get3A_174] {strides = array<i32>} : memref<96x128xf32, #tpu.memory_space<vmem>>, vector<1x16xf32>,
        %get3A_176 = vector.shape_cast %get3A_175 : vector<1x16xf32> to vector<16xf32>
        %mul3A_177 = arith.constant 4 : i32
        %mul3A_178 = arith.muli %mul3A_177, %scan3A_117 : i32
        %add3A_179 = arith.constant 3 : i32
        %add3A_180 = arith.addi %mul3A_178, %add3A_179 : i32
        %get3A_181 = arith.index_cast %add3A_180 : i32 to index
        %get3A_182 = arith.constant 16 : index
        %get3A_183 = tpu.vector_load %arg8[%get3A_181, %get3A_182] {strides = array<i32>} : memref<96x128xf32, #tpu.memory_space<vmem>>, vector<1x16xf32>,
        %get3A_184 = vector.shape_cast %get3A_183 : vector<1x16xf32> to vector<16xf32>
        %max3A_185 = arith.maximumf %get3A_176, %get3A_184 : vector<16xf32>
        %max3A_186 = arith.maximumf %max3A_168, %max3A_185 : vector<16xf32>
        %swap3A_187 = arith.index_cast %scan3A_117 : i32 to index
        %swap3A_188 = arith.constant 16 : index
        %swap3A_189 = tpu.vector_load %arg10[%swap3A_187, %swap3A_188] {strides = array<i32>} : memref<24x128xf32, #tpu.memory_space<vmem>>, vector<1x16xf32>,
        %swap3A_190 = vector.shape_cast %swap3A_189 : vector<1x16xf32> to vector<16xf32>
        %swap3A_191 = vector.shape_cast %max3A_186 : vector<16xf32> to vector<1x16xf32>
        tpu.vector_store %arg10[%swap3A_187, %swap3A_188], %swap3A_191 {strides = array<i32>} : memref<24x128xf32, #tpu.memory_space<vmem>>, vector<1x16xf32>,
        %mul3A_192 = arith.constant 4 : i32
        %mul3A_193 = arith.muli %mul3A_192, %scan3A_117 : i32
        %get3A_194 = arith.index_cast %mul3A_193 : i32 to index
        %get3A_195 = arith.constant 32 : index
        %get3A_196 = tpu.vector_load %arg8[%get3A_194, %get3A_195] {strides = array<i32>} : memref<96x128xf32, #tpu.memory_space<vmem>>, vector<1x16xf32>,
        %get3A_197 = vector.shape_cast %get3A_196 : vector<1x16xf32> to vector<16xf32>
        %mul3A_198 = arith.constant 4 : i32
        %mul3A_199 = arith.muli %mul3A_198, %scan3A_117 : i32
        %add3A_200 = arith.constant 1 : i32
        %add3A_201 = arith.addi %mul3A_199, %add3A_200 : i32
        %get3A_202 = arith.index_cast %add3A_201 : i32 to index
        %get3A_203 = arith.constant 32 : index
        %get3A_204 = tpu.vector_load %arg8[%get3A_202, %get3A_203] {strides = array<i32>} : memref<96x128xf32, #tpu.memory_space<vmem>>, vector<1x16xf32>,
        %get3A_205 = vector.shape_cast %get3A_204 : vector<1x16xf32> to vector<16xf32>
        %max3A_206 = arith.maximumf %get3A_197, %get3A_205 : vector<16xf32>
        %mul3A_207 = arith.constant 4 : i32
        %mul3A_208 = arith.muli %mul3A_207, %scan3A_117 : i32
        %add3A_209 = arith.constant 2 : i32
        %add3A_210 = arith.addi %mul3A_208, %add3A_209 : i32
        %get3A_211 = arith.index_cast %add3A_210 : i32 to index
        %get3A_212 = arith.constant 32 : index
        %get3A_213 = tpu.vector_load %arg8[%get3A_211, %get3A_212] {strides = array<i32>} : memref<96x128xf32, #tpu.memory_space<vmem>>, vector<1x16xf32>,
        %get3A_214 = vector.shape_cast %get3A_213 : vector<1x16xf32> to vector<16xf32>
        %mul3A_215 = arith.constant 4 : i32
        %mul3A_216 = arith.muli %mul3A_215, %scan3A_117 : i32
        %add3A_217 = arith.constant 3 : i32
        %add3A_218 = arith.addi %mul3A_216, %add3A_217 : i32
        %get3A_219 = arith.index_cast %add3A_218 : i32 to index
        %get3A_220 = arith.constant 32 : index
        %get3A_221 = tpu.vector_load %arg8[%get3A_219, %get3A_220] {strides = array<i32>} : memref<96x128xf32, #tpu.memory_space<vmem>>, vector<1x16xf32>,
        %get3A_222 = vector.shape_cast %get3A_221 : vector<1x16xf32> to vector<16xf32>
        %max3A_223 = arith.maximumf %get3A_214, %get3A_222 : vector<16xf32>
        %max3A_224 = arith.maximumf %max3A_206, %max3A_223 : vector<16xf32>
        %swap3A_225 = arith.index_cast %scan3A_117 : i32 to index
        %swap3A_226 = arith.constant 32 : index
        %swap3A_227 = tpu.vector_load %arg10[%swap3A_225, %swap3A_226] {strides = array<i32>} : memref<24x128xf32, #tpu.memory_space<vmem>>, vector<1x16xf32>,
        %swap3A_228 = vector.shape_cast %swap3A_227 : vector<1x16xf32> to vector<16xf32>
        %swap3A_229 = vector.shape_cast %max3A_224 : vector<16xf32> to vector<1x16xf32>
        tpu.vector_store %arg10[%swap3A_225, %swap3A_226], %swap3A_229 {strides = array<i32>} : memref<24x128xf32, #tpu.memory_space<vmem>>, vector<1x16xf32>,
        %mul3A_230 = arith.constant 4 : i32
        %mul3A_231 = arith.muli %mul3A_230, %scan3A_117 : i32
        %get3A_232 = arith.index_cast %mul3A_231 : i32 to index
        %get3A_233 = arith.constant 48 : index
        %get3A_234 = tpu.vector_load %arg8[%get3A_232, %get3A_233] {strides = array<i32>} : memref<96x128xf32, #tpu.memory_space<vmem>>, vector<1x16xf32>,
        %get3A_235 = vector.shape_cast %get3A_234 : vector<1x16xf32> to vector<16xf32>
        %mul3A_236 = arith.constant 4 : i32
        %mul3A_237 = arith.muli %mul3A_236, %scan3A_117 : i32
        %add3A_238 = arith.constant 1 : i32
        %add3A_239 = arith.addi %mul3A_237, %add3A_238 : i32
        %get3A_240 = arith.index_cast %add3A_239 : i32 to index
        %get3A_241 = arith.constant 48 : index
        %get3A_242 = tpu.vector_load %arg8[%get3A_240, %get3A_241] {strides = array<i32>} : memref<96x128xf32, #tpu.memory_space<vmem>>, vector<1x16xf32>,
        %get3A_243 = vector.shape_cast %get3A_242 : vector<1x16xf32> to vector<16xf32>
        %max3A_244 = arith.maximumf %get3A_235, %get3A_243 : vector<16xf32>
        %mul3A_245 = arith.constant 4 : i32
        %mul3A_246 = arith.muli %mul3A_245, %scan3A_117 : i32
        %add3A_247 = arith.constant 2 : i32
        %add3A_248 = arith.addi %mul3A_246, %add3A_247 : i32
        %get3A_249 = arith.index_cast %add3A_248 : i32 to index
        %get3A_250 = arith.constant 48 : index
        %get3A_251 = tpu.vector_load %arg8[%get3A_249, %get3A_250] {strides = array<i32>} : memref<96x128xf32, #tpu.memory_space<vmem>>, vector<1x16xf32>,
        %get3A_252 = vector.shape_cast %get3A_251 : vector<1x16xf32> to vector<16xf32>
        %mul3A_253 = arith.constant 4 : i32
        %mul3A_254 = arith.muli %mul3A_253, %scan3A_117 : i32
        %add3A_255 = arith.constant 3 : i32
        %add3A_256 = arith.addi %mul3A_254, %add3A_255 : i32
        %get3A_257 = arith.index_cast %add3A_256 : i32 to index
        %get3A_258 = arith.constant 48 : index
        %get3A_259 = tpu.vector_load %arg8[%get3A_257, %get3A_258] {strides = array<i32>} : memref<96x128xf32, #tpu.memory_space<vmem>>, vector<1x16xf32>,
        %get3A_260 = vector.shape_cast %get3A_259 : vector<1x16xf32> to vector<16xf32>
        %max3A_261 = arith.maximumf %get3A_252, %get3A_260 : vector<16xf32>
        %max3A_262 = arith.maximumf %max3A_244, %max3A_261 : vector<16xf32>
        %swap3A_263 = arith.index_cast %scan3A_117 : i32 to index
        %swap3A_264 = arith.constant 48 : index
        %swap3A_265 = tpu.vector_load %arg10[%swap3A_263, %swap3A_264] {strides = array<i32>} : memref<24x128xf32, #tpu.memory_space<vmem>>, vector<1x16xf32>,
        %swap3A_266 = vector.shape_cast %swap3A_265 : vector<1x16xf32> to vector<16xf32>
        %swap3A_267 = vector.shape_cast %max3A_262 : vector<16xf32> to vector<1x16xf32>
        tpu.vector_store %arg10[%swap3A_263, %swap3A_264], %swap3A_267 {strides = array<i32>} : memref<24x128xf32, #tpu.memory_space<vmem>>, vector<1x16xf32>,
        %mul3A_268 = arith.constant 4 : i32
        %mul3A_269 = arith.muli %mul3A_268, %scan3A_117 : i32
        %get3A_270 = arith.index_cast %mul3A_269 : i32 to index
        %get3A_271 = arith.constant 64 : index
        %get3A_272 = tpu.vector_load %arg8[%get3A_270, %get3A_271] {strides = array<i32>} : memref<96x128xf32, #tpu.memory_space<vmem>>, vector<1x16xf32>,
        %get3A_273 = vector.shape_cast %get3A_272 : vector<1x16xf32> to vector<16xf32>
        %mul3A_274 = arith.constant 4 : i32
        %mul3A_275 = arith.muli %mul3A_274, %scan3A_117 : i32
        %add3A_276 = arith.constant 1 : i32
        %add3A_277 = arith.addi %mul3A_275, %add3A_276 : i32
        %get3A_278 = arith.index_cast %add3A_277 : i32 to index
        %get3A_279 = arith.constant 64 : index
        %get3A_280 = tpu.vector_load %arg8[%get3A_278, %get3A_279] {strides = array<i32>} : memref<96x128xf32, #tpu.memory_space<vmem>>, vector<1x16xf32>,
        %get3A_281 = vector.shape_cast %get3A_280 : vector<1x16xf32> to vector<16xf32>
        %max3A_282 = arith.maximumf %get3A_273, %get3A_281 : vector<16xf32>
        %mul3A_283 = arith.constant 4 : i32
        %mul3A_284 = arith.muli %mul3A_283, %scan3A_117 : i32
        %add3A_285 = arith.constant 2 : i32
        %add3A_286 = arith.addi %mul3A_284, %add3A_285 : i32
        %get3A_287 = arith.index_cast %add3A_286 : i32 to index
        %get3A_288 = arith.constant 64 : index
        %get3A_289 = tpu.vector_load %arg8[%get3A_287, %get3A_288] {strides = array<i32>} : memref<96x128xf32, #tpu.memory_space<vmem>>, vector<1x16xf32>,
        %get3A_290 = vector.shape_cast %get3A_289 : vector<1x16xf32> to vector<16xf32>
        %mul3A_291 = arith.constant 4 : i32
        %mul3A_292 = arith.muli %mul3A_291, %scan3A_117 : i32
        %add3A_293 = arith.constant 3 : i32
        %add3A_294 = arith.addi %mul3A_292, %add3A_293 : i32
        %get3A_295 = arith.index_cast %add3A_294 : i32 to index
        %get3A_296 = arith.constant 64 : index
        %get3A_297 = tpu.vector_load %arg8[%get3A_295, %get3A_296] {strides = array<i32>} : memref<96x128xf32, #tpu.memory_space<vmem>>, vector<1x16xf32>,
        %get3A_298 = vector.shape_cast %get3A_297 : vector<1x16xf32> to vector<16xf32>
        %max3A_299 = arith.maximumf %get3A_290, %get3A_298 : vector<16xf32>
        %max3A_300 = arith.maximumf %max3A_282, %max3A_299 : vector<16xf32>
        %swap3A_301 = arith.index_cast %scan3A_117 : i32 to index
        %swap3A_302 = arith.constant 64 : index
        %swap3A_303 = tpu.vector_load %arg10[%swap3A_301, %swap3A_302] {strides = array<i32>} : memref<24x128xf32, #tpu.memory_space<vmem>>, vector<1x16xf32>,
        %swap3A_304 = vector.shape_cast %swap3A_303 : vector<1x16xf32> to vector<16xf32>
        %swap3A_305 = vector.shape_cast %max3A_300 : vector<16xf32> to vector<1x16xf32>
        tpu.vector_store %arg10[%swap3A_301, %swap3A_302], %swap3A_305 {strides = array<i32>} : memref<24x128xf32, #tpu.memory_space<vmem>>, vector<1x16xf32>,
        %mul3A_306 = arith.constant 4 : i32
        %mul3A_307 = arith.muli %mul3A_306, %scan3A_117 : i32
        %get3A_308 = arith.index_cast %mul3A_307 : i32 to index
        %get3A_309 = arith.constant 80 : index
        %get3A_310 = tpu.vector_load %arg8[%get3A_308, %get3A_309] {strides = array<i32>} : memref<96x128xf32, #tpu.memory_space<vmem>>, vector<1x16xf32>,
        %get3A_311 = vector.shape_cast %get3A_310 : vector<1x16xf32> to vector<16xf32>
        %mul3A_312 = arith.constant 4 : i32
        %mul3A_313 = arith.muli %mul3A_312, %scan3A_117 : i32
        %add3A_314 = arith.constant 1 : i32
        %add3A_315 = arith.addi %mul3A_313, %add3A_314 : i32
        %get3A_316 = arith.index_cast %add3A_315 : i32 to index
        %get3A_317 = arith.constant 80 : index
        %get3A_318 = tpu.vector_load %arg8[%get3A_316, %get3A_317] {strides = array<i32>} : memref<96x128xf32, #tpu.memory_space<vmem>>, vector<1x16xf32>,
        %get3A_319 = vector.shape_cast %get3A_318 : vector<1x16xf32> to vector<16xf32>
        %max3A_320 = arith.maximumf %get3A_311, %get3A_319 : vector<16xf32>
        %mul3A_321 = arith.constant 4 : i32
        %mul3A_322 = arith.muli %mul3A_321, %scan3A_117 : i32
        %add3A_323 = arith.constant 2 : i32
        %add3A_324 = arith.addi %mul3A_322, %add3A_323 : i32
        %get3A_325 = arith.index_cast %add3A_324 : i32 to index
        %get3A_326 = arith.constant 80 : index
        %get3A_327 = tpu.vector_load %arg8[%get3A_325, %get3A_326] {strides = array<i32>} : memref<96x128xf32, #tpu.memory_space<vmem>>, vector<1x16xf32>,
        %get3A_328 = vector.shape_cast %get3A_327 : vector<1x16xf32> to vector<16xf32>
        %mul3A_329 = arith.constant 4 : i32
        %mul3A_330 = arith.muli %mul3A_329, %scan3A_117 : i32
        %add3A_331 = arith.constant 3 : i32
        %add3A_332 = arith.addi %mul3A_330, %add3A_331 : i32
        %get3A_333 = arith.index_cast %add3A_332 : i32 to index
        %get3A_334 = arith.constant 80 : index
        %get3A_335 = tpu.vector_load %arg8[%get3A_333, %get3A_334] {strides = array<i32>} : memref<96x128xf32, #tpu.memory_space<vmem>>, vector<1x16xf32>,
        %get3A_336 = vector.shape_cast %get3A_335 : vector<1x16xf32> to vector<16xf32>
        %max3A_337 = arith.maximumf %get3A_328, %get3A_336 : vector<16xf32>
        %max3A_338 = arith.maximumf %max3A_320, %max3A_337 : vector<16xf32>
        %swap3A_339 = arith.index_cast %scan3A_117 : i32 to index
        %swap3A_340 = arith.constant 80 : index
        %swap3A_341 = tpu.vector_load %arg10[%swap3A_339, %swap3A_340] {strides = array<i32>} : memref<24x128xf32, #tpu.memory_space<vmem>>, vector<1x16xf32>,
        %swap3A_342 = vector.shape_cast %swap3A_341 : vector<1x16xf32> to vector<16xf32>
        %swap3A_343 = vector.shape_cast %max3A_338 : vector<16xf32> to vector<1x16xf32>
        tpu.vector_store %arg10[%swap3A_339, %swap3A_340], %swap3A_343 {strides = array<i32>} : memref<24x128xf32, #tpu.memory_space<vmem>>, vector<1x16xf32>,
        %mul3A_344 = arith.constant 4 : i32
        %mul3A_345 = arith.muli %mul3A_344, %scan3A_117 : i32
        %get3A_346 = arith.index_cast %mul3A_345 : i32 to index
        %get3A_347 = arith.constant 96 : index
        %get3A_348 = tpu.vector_load %arg8[%get3A_346, %get3A_347] {strides = array<i32>} : memref<96x128xf32, #tpu.memory_space<vmem>>, vector<1x16xf32>,
        %get3A_349 = vector.shape_cast %get3A_348 : vector<1x16xf32> to vector<16xf32>
        %mul3A_350 = arith.constant 4 : i32
        %mul3A_351 = arith.muli %mul3A_350, %scan3A_117 : i32
        %add3A_352 = arith.constant 1 : i32
        %add3A_353 = arith.addi %mul3A_351, %add3A_352 : i32
        %get3A_354 = arith.index_cast %add3A_353 : i32 to index
        %get3A_355 = arith.constant 96 : index
        %get3A_356 = tpu.vector_load %arg8[%get3A_354, %get3A_355] {strides = array<i32>} : memref<96x128xf32, #tpu.memory_space<vmem>>, vector<1x16xf32>,
        %get3A_357 = vector.shape_cast %get3A_356 : vector<1x16xf32> to vector<16xf32>
        %max3A_358 = arith.maximumf %get3A_349, %get3A_357 : vector<16xf32>
        %mul3A_359 = arith.constant 4 : i32
        %mul3A_360 = arith.muli %mul3A_359, %scan3A_117 : i32
        %add3A_361 = arith.constant 2 : i32
        %add3A_362 = arith.addi %mul3A_360, %add3A_361 : i32
        %get3A_363 = arith.index_cast %add3A_362 : i32 to index
        %get3A_364 = arith.constant 96 : index
        %get3A_365 = tpu.vector_load %arg8[%get3A_363, %get3A_364] {strides = array<i32>} : memref<96x128xf32, #tpu.memory_space<vmem>>, vector<1x16xf32>,
        %get3A_366 = vector.shape_cast %get3A_365 : vector<1x16xf32> to vector<16xf32>
        %mul3A_367 = arith.constant 4 : i32
        %mul3A_368 = arith.muli %mul3A_367, %scan3A_117 : i32
        %add3A_369 = arith.constant 3 : i32
        %add3A_370 = arith.addi %mul3A_368, %add3A_369 : i32
        %get3A_371 = arith.index_cast %add3A_370 : i32 to index
        %get3A_372 = arith.constant 96 : index
        %get3A_373 = tpu.vector_load %arg8[%get3A_371, %get3A_372] {strides = array<i32>} : memref<96x128xf32, #tpu.memory_space<vmem>>, vector<1x16xf32>,
        %get3A_374 = vector.shape_cast %get3A_373 : vector<1x16xf32> to vector<16xf32>
        %max3A_375 = arith.maximumf %get3A_366, %get3A_374 : vector<16xf32>
        %max3A_376 = arith.maximumf %max3A_358, %max3A_375 : vector<16xf32>
        %swap3A_377 = arith.index_cast %scan3A_117 : i32 to index
        %swap3A_378 = arith.constant 96 : index
        %swap3A_379 = tpu.vector_load %arg10[%swap3A_377, %swap3A_378] {strides = array<i32>} : memref<24x128xf32, #tpu.memory_space<vmem>>, vector<1x16xf32>,
        %swap3A_380 = vector.shape_cast %swap3A_379 : vector<1x16xf32> to vector<16xf32>
        %swap3A_381 = vector.shape_cast %max3A_376 : vector<16xf32> to vector<1x16xf32>
        tpu.vector_store %arg10[%swap3A_377, %swap3A_378], %swap3A_381 {strides = array<i32>} : memref<24x128xf32, #tpu.memory_space<vmem>>, vector<1x16xf32>,
        %mul3A_382 = arith.constant 4 : i32
        %mul3A_383 = arith.muli %mul3A_382, %scan3A_117 : i32
        %get3A_384 = arith.index_cast %mul3A_383 : i32 to index
        %get3A_385 = arith.constant 112 : index
        %get3A_386 = tpu.vector_load %arg8[%get3A_384, %get3A_385] {strides = array<i32>} : memref<96x128xf32, #tpu.memory_space<vmem>>, vector<1x16xf32>,
        %get3A_387 = vector.shape_cast %get3A_386 : vector<1x16xf32> to vector<16xf32>
        %mul3A_388 = arith.constant 4 : i32
        %mul3A_389 = arith.muli %mul3A_388, %scan3A_117 : i32
        %add3A_390 = arith.constant 1 : i32
        %add3A_391 = arith.addi %mul3A_389, %add3A_390 : i32
        %get3A_392 = arith.index_cast %add3A_391 : i32 to index
        %get3A_393 = arith.constant 112 : index
        %get3A_394 = tpu.vector_load %arg8[%get3A_392, %get3A_393] {strides = array<i32>} : memref<96x128xf32, #tpu.memory_space<vmem>>, vector<1x16xf32>,
        %get3A_395 = vector.shape_cast %get3A_394 : vector<1x16xf32> to vector<16xf32>
        %max3A_396 = arith.maximumf %get3A_387, %get3A_395 : vector<16xf32>
        %mul3A_397 = arith.constant 4 : i32
        %mul3A_398 = arith.muli %mul3A_397, %scan3A_117 : i32
        %add3A_399 = arith.constant 2 : i32
        %add3A_400 = arith.addi %mul3A_398, %add3A_399 : i32
        %get3A_401 = arith.index_cast %add3A_400 : i32 to index
        %get3A_402 = arith.constant 112 : index
        %get3A_403 = tpu.vector_load %arg8[%get3A_401, %get3A_402] {strides = array<i32>} : memref<96x128xf32, #tpu.memory_space<vmem>>, vector<1x16xf32>,
        %get3A_404 = vector.shape_cast %get3A_403 : vector<1x16xf32> to vector<16xf32>
        %mul3A_405 = arith.constant 4 : i32
        %mul3A_406 = arith.muli %mul3A_405, %scan3A_117 : i32
        %add3A_407 = arith.constant 3 : i32
        %add3A_408 = arith.addi %mul3A_406, %add3A_407 : i32
        %get3A_409 = arith.index_cast %add3A_408 : i32 to index
        %get3A_410 = arith.constant 112 : index
        %get3A_411 = tpu.vector_load %arg8[%get3A_409, %get3A_410] {strides = array<i32>} : memref<96x128xf32, #tpu.memory_space<vmem>>, vector<1x16xf32>,
        %get3A_412 = vector.shape_cast %get3A_411 : vector<1x16xf32> to vector<16xf32>
        %max3A_413 = arith.maximumf %get3A_404, %get3A_412 : vector<16xf32>
        %max3A_414 = arith.maximumf %max3A_396, %max3A_413 : vector<16xf32>
        %swap3A_415 = arith.index_cast %scan3A_117 : i32 to index
        %swap3A_416 = arith.constant 112 : index
        %swap3A_417 = tpu.vector_load %arg10[%swap3A_415, %swap3A_416] {strides = array<i32>} : memref<24x128xf32, #tpu.memory_space<vmem>>, vector<1x16xf32>,
        %swap3A_418 = vector.shape_cast %swap3A_417 : vector<1x16xf32> to vector<16xf32>
        %swap3A_419 = vector.shape_cast %max3A_414 : vector<16xf32> to vector<1x16xf32>
        tpu.vector_store %arg10[%swap3A_415, %swap3A_416], %swap3A_419 {strides = array<i32>} : memref<24x128xf32, #tpu.memory_space<vmem>>, vector<1x16xf32>,
        %scan3A_420 = arith.constant 0 : i32
        scf.yield %scan3A_420 : i32
      }
      %scan3A_66 = arith.constant 24 : i32
      %mul3A_67 = arith.constant 24 : i32
      %mul3A_68 = arith.muli %mul3A_38, %mul3A_67 : i32
      %add3A_69 = arith.addi %mul3A_0, %mul3A_68 : i32
      %dma_start3A_70 = arith.constant 0 : i32
      %dma_start3A_71 = tpu.memref_slice %arg4[%arg0, %add3A_69, %dma_start3A_70] : memref<2x49152x128xf32, #tpu.memory_space<hbm>> -> memref<1x24x128xf32, #tpu.memory_space<hbm>>
      %dma_start3A_72 = tpu.memref_squeeze %dma_start3A_71 : memref<1x24x128xf32, #tpu.memory_space<hbm>> -> memref<24x128xf32, #tpu.memory_space<hbm>>
      %dma_start3A_73 = arith.constant 0 : i32
      %dma_start3A_74 = tpu.memref_slice %arg4[%arg0, %add3A_69, %dma_start3A_73] : memref<2x49152x128xf32, #tpu.memory_space<hbm>> -> memref<1x24x128xf32, #tpu.memory_space<hbm>>
      %dma_start3A_75 = tpu.memref_squeeze %dma_start3A_74 : memref<1x24x128xf32, #tpu.memory_space<hbm>> -> memref<24x128xf32, #tpu.memory_space<hbm>>
      tpu.enqueue_dma source(%arg10 : memref<24x128xf32, #tpu.memory_space<vmem>>) target(%dma_start3A_75 : memref<24x128xf32, #tpu.memory_space<hbm>>) target_semaphore(%arg14 : memref<!tpu.dma_semaphore, #tpu.memory_space<semaphore_mem>>)
      %add3A_76 = arith.constant 2 : i32
      %add3A_77 = arith.addi %mul3A_38, %add3A_76 : i32
      %lt3A_78 = arith.constant 128 : i32
      %lt3A_79 = arith.cmpi slt, %add3A_77, %lt3A_78 : i32
      %convert_element_type3A_80 = arith.extui %lt3A_79 : i1 to i32
      %cond3A_81 = arith.constant 0 : i32
      %cond3A_82 = arith.cmpi ne, %convert_element_type3A_80, %cond3A_81 : i32
      scf.if %cond3A_82 {
        %add3A_117 = arith.constant 2 : i32
        %add3A_118 = arith.addi %mul3A_38, %add3A_117 : i32
        %mul3A_119 = arith.constant 4 : i32
        %mul3A_120 = arith.muli %add3A_118, %mul3A_119 : i32
        %mul3A_121 = arith.constant 24 : i32
        %mul3A_122 = arith.muli %mul3A_120, %mul3A_121 : i32
        %dma_start3A_123 = tpu.memref_slice %arg7[%mul3A_122] : memref<12288xi32, #tpu.memory_space<vmem>> -> memref<96xi32, #tpu.memory_space<vmem>>
        %dma_start3A_124 = arith.constant 0 : i32
        %dma_start3A_125 = arith.constant 0 : i32
        %dma_start3A_126 = tpu.memref_slice %arg5[%dma_start3A_124, %dma_start3A_125] : memref<10016x128xf32, #tpu.memory_space<vmem_shared>> -> memref<10016x128xf32, #tpu.memory_space<vmem_shared>>
        tpu.enqueue_indirect_dma source(%dma_start3A_126 : memref<10016x128xf32, #tpu.memory_space<vmem_shared>>) target(%arg8 : memref<96x128xf32, #tpu.memory_space<vmem>>) offsets(%dma_start3A_123 : memref<96xi32, #tpu.memory_space<vmem>>) semaphore(%arg12 : memref<!tpu.dma_semaphore, #tpu.memory_space<semaphore_mem>>)
      } else {
      }
      %add3A_83 = arith.constant 1 : i32
      %add3A_84 = arith.addi %mul3A_38, %add3A_83 : i32
      %mul3A_85 = arith.constant 4 : i32
      %mul3A_86 = arith.muli %add3A_84, %mul3A_85 : i32
      %mul3A_87 = arith.constant 24 : i32
      %mul3A_88 = arith.muli %mul3A_86, %mul3A_87 : i32
      %dma_wait3A_89 = tpu.memref_slice %arg7[%mul3A_88] : memref<12288xi32, #tpu.memory_space<vmem>> -> memref<96xi32, #tpu.memory_space<vmem>>
      %dma_wait3A_90 = arith.constant 0 : i32
      %dma_wait3A_91 = arith.constant 0 : i32
      %dma_wait3A_92 = tpu.memref_slice %arg5[%dma_wait3A_90, %dma_wait3A_91] : memref<10016x128xf32, #tpu.memory_space<vmem_shared>> -> memref<10016x128xf32, #tpu.memory_space<vmem_shared>>
      tpu.wait_indirect_dma semaphore(%arg13 : memref<!tpu.dma_semaphore, #tpu.memory_space<semaphore_mem>>) src(%dma_wait3A_92 : memref<10016x128xf32, #tpu.memory_space<vmem_shared>>) dst(%arg9 : memref<96x128xf32, #tpu.memory_space<vmem>>)
      %gt3A_93 = arith.constant 0 : i32
      %gt3A_94 = arith.cmpi sgt, %scan3A_35, %gt3A_93 : i32
      %convert_element_type3A_95 = arith.extui %gt3A_94 : i1 to i32
      %cond3A_96 = arith.constant 0 : i32
      %cond3A_97 = arith.cmpi ne, %convert_element_type3A_95, %cond3A_96 : i32
      scf.if %cond3A_97 {
        %dma_wait3A_117 = arith.constant 0 : i32
        %dma_wait3A_118 = tpu.memref_slice %arg4[%arg0, %mul3A_0, %dma_wait3A_117] : memref<2x49152x128xf32, #tpu.memory_space<hbm>> -> memref<1x24x128xf32, #tpu.memory_space<hbm>>
        %dma_wait3A_119 = tpu.memref_squeeze %dma_wait3A_118 : memref<1x24x128xf32, #tpu.memory_space<hbm>> -> memref<24x128xf32, #tpu.memory_space<hbm>>
        %dma_wait3A_120 = arith.constant 0 : i32
        %dma_wait3A_121 = tpu.memref_slice %arg4[%arg0, %mul3A_0, %dma_wait3A_120] : memref<2x49152x128xf32, #tpu.memory_space<hbm>> -> memref<1x24x128xf32, #tpu.memory_space<hbm>>
        %dma_wait3A_122 = tpu.memref_squeeze %dma_wait3A_121 : memref<1x24x128xf32, #tpu.memory_space<hbm>> -> memref<24x128xf32, #tpu.memory_space<hbm>>
        tpu.wait_dma2 semaphore(%arg14 : memref<!tpu.dma_semaphore, #tpu.memory_space<semaphore_mem>>) src(%arg11 : memref<24x128xf32, #tpu.memory_space<vmem>>) dst(%dma_wait3A_122 : memref<24x128xf32, #tpu.memory_space<hbm>>)
      } else {
      }
      %scan3A_98 = arith.constant 0 : i32
      %scan3A_99 = arith.constant 0 : i32
      %scan3A_100 = arith.constant 24 : i32
      %scan3A_101 = arith.addi %scan3A_99, %scan3A_100 : i32
      %scan3A_102 = arith.constant 1 : i32
      %scan3A_103 = scf.for %scan3A_117 = %scan3A_99 to %scan3A_101 step %scan3A_102 iter_args(%scan3A_118 = %scan3A_98) -> (i32)  : i32 {
        %mul3A_119 = arith.constant 4 : i32
        %mul3A_120 = arith.muli %mul3A_119, %scan3A_117 : i32
        %get3A = arith.index_cast %mul3A_120 : i32 to index
        %get3A_121 = arith.constant 0 : index
        %get3A_122 = tpu.vector_load %arg9[%get3A, %get3A_121] {strides = array<i32>} : memref<96x128xf32, #tpu.memory_space<vmem>>, vector<1x16xf32>,
        %get3A_123 = vector.shape_cast %get3A_122 : vector<1x16xf32> to vector<16xf32>
        %mul3A_124 = arith.constant 4 : i32
        %mul3A_125 = arith.muli %mul3A_124, %scan3A_117 : i32
        %add3A_126 = arith.constant 1 : i32
        %add3A_127 = arith.addi %mul3A_125, %add3A_126 : i32
        %get3A_128 = arith.index_cast %add3A_127 : i32 to index
        %get3A_129 = arith.constant 0 : index
        %get3A_130 = tpu.vector_load %arg9[%get3A_128, %get3A_129] {strides = array<i32>} : memref<96x128xf32, #tpu.memory_space<vmem>>, vector<1x16xf32>,
        %get3A_131 = vector.shape_cast %get3A_130 : vector<1x16xf32> to vector<16xf32>
        %max3A = arith.maximumf %get3A_123, %get3A_131 : vector<16xf32>
        %mul3A_132 = arith.constant 4 : i32
        %mul3A_133 = arith.muli %mul3A_132, %scan3A_117 : i32
        %add3A_134 = arith.constant 2 : i32
        %add3A_135 = arith.addi %mul3A_133, %add3A_134 : i32
        %get3A_136 = arith.index_cast %add3A_135 : i32 to index
        %get3A_137 = arith.constant 0 : index
        %get3A_138 = tpu.vector_load %arg9[%get3A_136, %get3A_137] {strides = array<i32>} : memref<96x128xf32, #tpu.memory_space<vmem>>, vector<1x16xf32>,
        %get3A_139 = vector.shape_cast %get3A_138 : vector<1x16xf32> to vector<16xf32>
        %mul3A_140 = arith.constant 4 : i32
        %mul3A_141 = arith.muli %mul3A_140, %scan3A_117 : i32
        %add3A_142 = arith.constant 3 : i32
        %add3A_143 = arith.addi %mul3A_141, %add3A_142 : i32
        %get3A_144 = arith.index_cast %add3A_143 : i32 to index
        %get3A_145 = arith.constant 0 : index
        %get3A_146 = tpu.vector_load %arg9[%get3A_144, %get3A_145] {strides = array<i32>} : memref<96x128xf32, #tpu.memory_space<vmem>>, vector<1x16xf32>,
        %get3A_147 = vector.shape_cast %get3A_146 : vector<1x16xf32> to vector<16xf32>
        %max3A_148 = arith.maximumf %get3A_139, %get3A_147 : vector<16xf32>
        %max3A_149 = arith.maximumf %max3A, %max3A_148 : vector<16xf32>
        %swap3A = arith.index_cast %scan3A_117 : i32 to index
        %swap3A_150 = arith.constant 0 : index
        %swap3A_151 = tpu.vector_load %arg11[%swap3A, %swap3A_150] {strides = array<i32>} : memref<24x128xf32, #tpu.memory_space<vmem>>, vector<1x16xf32>,
        %swap3A_152 = vector.shape_cast %swap3A_151 : vector<1x16xf32> to vector<16xf32>
        %swap3A_153 = vector.shape_cast %max3A_149 : vector<16xf32> to vector<1x16xf32>
        tpu.vector_store %arg11[%swap3A, %swap3A_150], %swap3A_153 {strides = array<i32>} : memref<24x128xf32, #tpu.memory_space<vmem>>, vector<1x16xf32>,
        %mul3A_154 = arith.constant 4 : i32
        %mul3A_155 = arith.muli %mul3A_154, %scan3A_117 : i32
        %get3A_156 = arith.index_cast %mul3A_155 : i32 to index
        %get3A_157 = arith.constant 16 : index
        %get3A_158 = tpu.vector_load %arg9[%get3A_156, %get3A_157] {strides = array<i32>} : memref<96x128xf32, #tpu.memory_space<vmem>>, vector<1x16xf32>,
        %get3A_159 = vector.shape_cast %get3A_158 : vector<1x16xf32> to vector<16xf32>
        %mul3A_160 = arith.constant 4 : i32
        %mul3A_161 = arith.muli %mul3A_160, %scan3A_117 : i32
        %add3A_162 = arith.constant 1 : i32
        %add3A_163 = arith.addi %mul3A_161, %add3A_162 : i32
        %get3A_164 = arith.index_cast %add3A_163 : i32 to index
        %get3A_165 = arith.constant 16 : index
        %get3A_166 = tpu.vector_load %arg9[%get3A_164, %get3A_165] {strides = array<i32>} : memref<96x128xf32, #tpu.memory_space<vmem>>, vector<1x16xf32>,
        %get3A_167 = vector.shape_cast %get3A_166 : vector<1x16xf32> to vector<16xf32>
        %max3A_168 = arith.maximumf %get3A_159, %get3A_167 : vector<16xf32>
        %mul3A_169 = arith.constant 4 : i32
        %mul3A_170 = arith.muli %mul3A_169, %scan3A_117 : i32
        %add3A_171 = arith.constant 2 : i32
        %add3A_172 = arith.addi %mul3A_170, %add3A_171 : i32
        %get3A_173 = arith.index_cast %add3A_172 : i32 to index
        %get3A_174 = arith.constant 16 : index
        %get3A_175 = tpu.vector_load %arg9[%get3A_173, %get3A_174] {strides = array<i32>} : memref<96x128xf32, #tpu.memory_space<vmem>>, vector<1x16xf32>,
        %get3A_176 = vector.shape_cast %get3A_175 : vector<1x16xf32> to vector<16xf32>
        %mul3A_177 = arith.constant 4 : i32
        %mul3A_178 = arith.muli %mul3A_177, %scan3A_117 : i32
        %add3A_179 = arith.constant 3 : i32
        %add3A_180 = arith.addi %mul3A_178, %add3A_179 : i32
        %get3A_181 = arith.index_cast %add3A_180 : i32 to index
        %get3A_182 = arith.constant 16 : index
        %get3A_183 = tpu.vector_load %arg9[%get3A_181, %get3A_182] {strides = array<i32>} : memref<96x128xf32, #tpu.memory_space<vmem>>, vector<1x16xf32>,
        %get3A_184 = vector.shape_cast %get3A_183 : vector<1x16xf32> to vector<16xf32>
        %max3A_185 = arith.maximumf %get3A_176, %get3A_184 : vector<16xf32>
        %max3A_186 = arith.maximumf %max3A_168, %max3A_185 : vector<16xf32>
        %swap3A_187 = arith.index_cast %scan3A_117 : i32 to index
        %swap3A_188 = arith.constant 16 : index
        %swap3A_189 = tpu.vector_load %arg11[%swap3A_187, %swap3A_188] {strides = array<i32>} : memref<24x128xf32, #tpu.memory_space<vmem>>, vector<1x16xf32>,
        %swap3A_190 = vector.shape_cast %swap3A_189 : vector<1x16xf32> to vector<16xf32>
        %swap3A_191 = vector.shape_cast %max3A_186 : vector<16xf32> to vector<1x16xf32>
        tpu.vector_store %arg11[%swap3A_187, %swap3A_188], %swap3A_191 {strides = array<i32>} : memref<24x128xf32, #tpu.memory_space<vmem>>, vector<1x16xf32>,
        %mul3A_192 = arith.constant 4 : i32
        %mul3A_193 = arith.muli %mul3A_192, %scan3A_117 : i32
        %get3A_194 = arith.index_cast %mul3A_193 : i32 to index
        %get3A_195 = arith.constant 32 : index
        %get3A_196 = tpu.vector_load %arg9[%get3A_194, %get3A_195] {strides = array<i32>} : memref<96x128xf32, #tpu.memory_space<vmem>>, vector<1x16xf32>,
        %get3A_197 = vector.shape_cast %get3A_196 : vector<1x16xf32> to vector<16xf32>
        %mul3A_198 = arith.constant 4 : i32
        %mul3A_199 = arith.muli %mul3A_198, %scan3A_117 : i32
        %add3A_200 = arith.constant 1 : i32
        %add3A_201 = arith.addi %mul3A_199, %add3A_200 : i32
        %get3A_202 = arith.index_cast %add3A_201 : i32 to index
        %get3A_203 = arith.constant 32 : index
        %get3A_204 = tpu.vector_load %arg9[%get3A_202, %get3A_203] {strides = array<i32>} : memref<96x128xf32, #tpu.memory_space<vmem>>, vector<1x16xf32>,
        %get3A_205 = vector.shape_cast %get3A_204 : vector<1x16xf32> to vector<16xf32>
        %max3A_206 = arith.maximumf %get3A_197, %get3A_205 : vector<16xf32>
        %mul3A_207 = arith.constant 4 : i32
        %mul3A_208 = arith.muli %mul3A_207, %scan3A_117 : i32
        %add3A_209 = arith.constant 2 : i32
        %add3A_210 = arith.addi %mul3A_208, %add3A_209 : i32
        %get3A_211 = arith.index_cast %add3A_210 : i32 to index
        %get3A_212 = arith.constant 32 : index
        %get3A_213 = tpu.vector_load %arg9[%get3A_211, %get3A_212] {strides = array<i32>} : memref<96x128xf32, #tpu.memory_space<vmem>>, vector<1x16xf32>,
        %get3A_214 = vector.shape_cast %get3A_213 : vector<1x16xf32> to vector<16xf32>
        %mul3A_215 = arith.constant 4 : i32
        %mul3A_216 = arith.muli %mul3A_215, %scan3A_117 : i32
        %add3A_217 = arith.constant 3 : i32
        %add3A_218 = arith.addi %mul3A_216, %add3A_217 : i32
        %get3A_219 = arith.index_cast %add3A_218 : i32 to index
        %get3A_220 = arith.constant 32 : index
        %get3A_221 = tpu.vector_load %arg9[%get3A_219, %get3A_220] {strides = array<i32>} : memref<96x128xf32, #tpu.memory_space<vmem>>, vector<1x16xf32>,
        %get3A_222 = vector.shape_cast %get3A_221 : vector<1x16xf32> to vector<16xf32>
        %max3A_223 = arith.maximumf %get3A_214, %get3A_222 : vector<16xf32>
        %max3A_224 = arith.maximumf %max3A_206, %max3A_223 : vector<16xf32>
        %swap3A_225 = arith.index_cast %scan3A_117 : i32 to index
        %swap3A_226 = arith.constant 32 : index
        %swap3A_227 = tpu.vector_load %arg11[%swap3A_225, %swap3A_226] {strides = array<i32>} : memref<24x128xf32, #tpu.memory_space<vmem>>, vector<1x16xf32>,
        %swap3A_228 = vector.shape_cast %swap3A_227 : vector<1x16xf32> to vector<16xf32>
        %swap3A_229 = vector.shape_cast %max3A_224 : vector<16xf32> to vector<1x16xf32>
        tpu.vector_store %arg11[%swap3A_225, %swap3A_226], %swap3A_229 {strides = array<i32>} : memref<24x128xf32, #tpu.memory_space<vmem>>, vector<1x16xf32>,
        %mul3A_230 = arith.constant 4 : i32
        %mul3A_231 = arith.muli %mul3A_230, %scan3A_117 : i32
        %get3A_232 = arith.index_cast %mul3A_231 : i32 to index
        %get3A_233 = arith.constant 48 : index
        %get3A_234 = tpu.vector_load %arg9[%get3A_232, %get3A_233] {strides = array<i32>} : memref<96x128xf32, #tpu.memory_space<vmem>>, vector<1x16xf32>,
        %get3A_235 = vector.shape_cast %get3A_234 : vector<1x16xf32> to vector<16xf32>
        %mul3A_236 = arith.constant 4 : i32
        %mul3A_237 = arith.muli %mul3A_236, %scan3A_117 : i32
        %add3A_238 = arith.constant 1 : i32
        %add3A_239 = arith.addi %mul3A_237, %add3A_238 : i32
        %get3A_240 = arith.index_cast %add3A_239 : i32 to index
        %get3A_241 = arith.constant 48 : index
        %get3A_242 = tpu.vector_load %arg9[%get3A_240, %get3A_241] {strides = array<i32>} : memref<96x128xf32, #tpu.memory_space<vmem>>, vector<1x16xf32>,
        %get3A_243 = vector.shape_cast %get3A_242 : vector<1x16xf32> to vector<16xf32>
        %max3A_244 = arith.maximumf %get3A_235, %get3A_243 : vector<16xf32>
        %mul3A_245 = arith.constant 4 : i32
        %mul3A_246 = arith.muli %mul3A_245, %scan3A_117 : i32
        %add3A_247 = arith.constant 2 : i32
        %add3A_248 = arith.addi %mul3A_246, %add3A_247 : i32
        %get3A_249 = arith.index_cast %add3A_248 : i32 to index
        %get3A_250 = arith.constant 48 : index
        %get3A_251 = tpu.vector_load %arg9[%get3A_249, %get3A_250] {strides = array<i32>} : memref<96x128xf32, #tpu.memory_space<vmem>>, vector<1x16xf32>,
        %get3A_252 = vector.shape_cast %get3A_251 : vector<1x16xf32> to vector<16xf32>
        %mul3A_253 = arith.constant 4 : i32
        %mul3A_254 = arith.muli %mul3A_253, %scan3A_117 : i32
        %add3A_255 = arith.constant 3 : i32
        %add3A_256 = arith.addi %mul3A_254, %add3A_255 : i32
        %get3A_257 = arith.index_cast %add3A_256 : i32 to index
        %get3A_258 = arith.constant 48 : index
        %get3A_259 = tpu.vector_load %arg9[%get3A_257, %get3A_258] {strides = array<i32>} : memref<96x128xf32, #tpu.memory_space<vmem>>, vector<1x16xf32>,
        %get3A_260 = vector.shape_cast %get3A_259 : vector<1x16xf32> to vector<16xf32>
        %max3A_261 = arith.maximumf %get3A_252, %get3A_260 : vector<16xf32>
        %max3A_262 = arith.maximumf %max3A_244, %max3A_261 : vector<16xf32>
        %swap3A_263 = arith.index_cast %scan3A_117 : i32 to index
        %swap3A_264 = arith.constant 48 : index
        %swap3A_265 = tpu.vector_load %arg11[%swap3A_263, %swap3A_264] {strides = array<i32>} : memref<24x128xf32, #tpu.memory_space<vmem>>, vector<1x16xf32>,
        %swap3A_266 = vector.shape_cast %swap3A_265 : vector<1x16xf32> to vector<16xf32>
        %swap3A_267 = vector.shape_cast %max3A_262 : vector<16xf32> to vector<1x16xf32>
        tpu.vector_store %arg11[%swap3A_263, %swap3A_264], %swap3A_267 {strides = array<i32>} : memref<24x128xf32, #tpu.memory_space<vmem>>, vector<1x16xf32>,
        %mul3A_268 = arith.constant 4 : i32
        %mul3A_269 = arith.muli %mul3A_268, %scan3A_117 : i32
        %get3A_270 = arith.index_cast %mul3A_269 : i32 to index
        %get3A_271 = arith.constant 64 : index
        %get3A_272 = tpu.vector_load %arg9[%get3A_270, %get3A_271] {strides = array<i32>} : memref<96x128xf32, #tpu.memory_space<vmem>>, vector<1x16xf32>,
        %get3A_273 = vector.shape_cast %get3A_272 : vector<1x16xf32> to vector<16xf32>
        %mul3A_274 = arith.constant 4 : i32
        %mul3A_275 = arith.muli %mul3A_274, %scan3A_117 : i32
        %add3A_276 = arith.constant 1 : i32
        %add3A_277 = arith.addi %mul3A_275, %add3A_276 : i32
        %get3A_278 = arith.index_cast %add3A_277 : i32 to index
        %get3A_279 = arith.constant 64 : index
        %get3A_280 = tpu.vector_load %arg9[%get3A_278, %get3A_279] {strides = array<i32>} : memref<96x128xf32, #tpu.memory_space<vmem>>, vector<1x16xf32>,
        %get3A_281 = vector.shape_cast %get3A_280 : vector<1x16xf32> to vector<16xf32>
        %max3A_282 = arith.maximumf %get3A_273, %get3A_281 : vector<16xf32>
        %mul3A_283 = arith.constant 4 : i32
        %mul3A_284 = arith.muli %mul3A_283, %scan3A_117 : i32
        %add3A_285 = arith.constant 2 : i32
        %add3A_286 = arith.addi %mul3A_284, %add3A_285 : i32
        %get3A_287 = arith.index_cast %add3A_286 : i32 to index
        %get3A_288 = arith.constant 64 : index
        %get3A_289 = tpu.vector_load %arg9[%get3A_287, %get3A_288] {strides = array<i32>} : memref<96x128xf32, #tpu.memory_space<vmem>>, vector<1x16xf32>,
        %get3A_290 = vector.shape_cast %get3A_289 : vector<1x16xf32> to vector<16xf32>
        %mul3A_291 = arith.constant 4 : i32
        %mul3A_292 = arith.muli %mul3A_291, %scan3A_117 : i32
        %add3A_293 = arith.constant 3 : i32
        %add3A_294 = arith.addi %mul3A_292, %add3A_293 : i32
        %get3A_295 = arith.index_cast %add3A_294 : i32 to index
        %get3A_296 = arith.constant 64 : index
        %get3A_297 = tpu.vector_load %arg9[%get3A_295, %get3A_296] {strides = array<i32>} : memref<96x128xf32, #tpu.memory_space<vmem>>, vector<1x16xf32>,
        %get3A_298 = vector.shape_cast %get3A_297 : vector<1x16xf32> to vector<16xf32>
        %max3A_299 = arith.maximumf %get3A_290, %get3A_298 : vector<16xf32>
        %max3A_300 = arith.maximumf %max3A_282, %max3A_299 : vector<16xf32>
        %swap3A_301 = arith.index_cast %scan3A_117 : i32 to index
        %swap3A_302 = arith.constant 64 : index
        %swap3A_303 = tpu.vector_load %arg11[%swap3A_301, %swap3A_302] {strides = array<i32>} : memref<24x128xf32, #tpu.memory_space<vmem>>, vector<1x16xf32>,
        %swap3A_304 = vector.shape_cast %swap3A_303 : vector<1x16xf32> to vector<16xf32>
        %swap3A_305 = vector.shape_cast %max3A_300 : vector<16xf32> to vector<1x16xf32>
        tpu.vector_store %arg11[%swap3A_301, %swap3A_302], %swap3A_305 {strides = array<i32>} : memref<24x128xf32, #tpu.memory_space<vmem>>, vector<1x16xf32>,
        %mul3A_306 = arith.constant 4 : i32
        %mul3A_307 = arith.muli %mul3A_306, %scan3A_117 : i32
        %get3A_308 = arith.index_cast %mul3A_307 : i32 to index
        %get3A_309 = arith.constant 80 : index
        %get3A_310 = tpu.vector_load %arg9[%get3A_308, %get3A_309] {strides = array<i32>} : memref<96x128xf32, #tpu.memory_space<vmem>>, vector<1x16xf32>,
        %get3A_311 = vector.shape_cast %get3A_310 : vector<1x16xf32> to vector<16xf32>
        %mul3A_312 = arith.constant 4 : i32
        %mul3A_313 = arith.muli %mul3A_312, %scan3A_117 : i32
        %add3A_314 = arith.constant 1 : i32
        %add3A_315 = arith.addi %mul3A_313, %add3A_314 : i32
        %get3A_316 = arith.index_cast %add3A_315 : i32 to index
        %get3A_317 = arith.constant 80 : index
        %get3A_318 = tpu.vector_load %arg9[%get3A_316, %get3A_317] {strides = array<i32>} : memref<96x128xf32, #tpu.memory_space<vmem>>, vector<1x16xf32>,
        %get3A_319 = vector.shape_cast %get3A_318 : vector<1x16xf32> to vector<16xf32>
        %max3A_320 = arith.maximumf %get3A_311, %get3A_319 : vector<16xf32>
        %mul3A_321 = arith.constant 4 : i32
        %mul3A_322 = arith.muli %mul3A_321, %scan3A_117 : i32
        %add3A_323 = arith.constant 2 : i32
        %add3A_324 = arith.addi %mul3A_322, %add3A_323 : i32
        %get3A_325 = arith.index_cast %add3A_324 : i32 to index
        %get3A_326 = arith.constant 80 : index
        %get3A_327 = tpu.vector_load %arg9[%get3A_325, %get3A_326] {strides = array<i32>} : memref<96x128xf32, #tpu.memory_space<vmem>>, vector<1x16xf32>,
        %get3A_328 = vector.shape_cast %get3A_327 : vector<1x16xf32> to vector<16xf32>
        %mul3A_329 = arith.constant 4 : i32
        %mul3A_330 = arith.muli %mul3A_329, %scan3A_117 : i32
        %add3A_331 = arith.constant 3 : i32
        %add3A_332 = arith.addi %mul3A_330, %add3A_331 : i32
        %get3A_333 = arith.index_cast %add3A_332 : i32 to index
        %get3A_334 = arith.constant 80 : index
        %get3A_335 = tpu.vector_load %arg9[%get3A_333, %get3A_334] {strides = array<i32>} : memref<96x128xf32, #tpu.memory_space<vmem>>, vector<1x16xf32>,
        %get3A_336 = vector.shape_cast %get3A_335 : vector<1x16xf32> to vector<16xf32>
        %max3A_337 = arith.maximumf %get3A_328, %get3A_336 : vector<16xf32>
        %max3A_338 = arith.maximumf %max3A_320, %max3A_337 : vector<16xf32>
        %swap3A_339 = arith.index_cast %scan3A_117 : i32 to index
        %swap3A_340 = arith.constant 80 : index
        %swap3A_341 = tpu.vector_load %arg11[%swap3A_339, %swap3A_340] {strides = array<i32>} : memref<24x128xf32, #tpu.memory_space<vmem>>, vector<1x16xf32>,
        %swap3A_342 = vector.shape_cast %swap3A_341 : vector<1x16xf32> to vector<16xf32>
        %swap3A_343 = vector.shape_cast %max3A_338 : vector<16xf32> to vector<1x16xf32>
        tpu.vector_store %arg11[%swap3A_339, %swap3A_340], %swap3A_343 {strides = array<i32>} : memref<24x128xf32, #tpu.memory_space<vmem>>, vector<1x16xf32>,
        %mul3A_344 = arith.constant 4 : i32
        %mul3A_345 = arith.muli %mul3A_344, %scan3A_117 : i32
        %get3A_346 = arith.index_cast %mul3A_345 : i32 to index
        %get3A_347 = arith.constant 96 : index
        %get3A_348 = tpu.vector_load %arg9[%get3A_346, %get3A_347] {strides = array<i32>} : memref<96x128xf32, #tpu.memory_space<vmem>>, vector<1x16xf32>,
        %get3A_349 = vector.shape_cast %get3A_348 : vector<1x16xf32> to vector<16xf32>
        %mul3A_350 = arith.constant 4 : i32
        %mul3A_351 = arith.muli %mul3A_350, %scan3A_117 : i32
        %add3A_352 = arith.constant 1 : i32
        %add3A_353 = arith.addi %mul3A_351, %add3A_352 : i32
        %get3A_354 = arith.index_cast %add3A_353 : i32 to index
        %get3A_355 = arith.constant 96 : index
        %get3A_356 = tpu.vector_load %arg9[%get3A_354, %get3A_355] {strides = array<i32>} : memref<96x128xf32, #tpu.memory_space<vmem>>, vector<1x16xf32>,
        %get3A_357 = vector.shape_cast %get3A_356 : vector<1x16xf32> to vector<16xf32>
        %max3A_358 = arith.maximumf %get3A_349, %get3A_357 : vector<16xf32>
        %mul3A_359 = arith.constant 4 : i32
        %mul3A_360 = arith.muli %mul3A_359, %scan3A_117 : i32
        %add3A_361 = arith.constant 2 : i32
        %add3A_362 = arith.addi %mul3A_360, %add3A_361 : i32
        %get3A_363 = arith.index_cast %add3A_362 : i32 to index
        %get3A_364 = arith.constant 96 : index
        %get3A_365 = tpu.vector_load %arg9[%get3A_363, %get3A_364] {strides = array<i32>} : memref<96x128xf32, #tpu.memory_space<vmem>>, vector<1x16xf32>,
        %get3A_366 = vector.shape_cast %get3A_365 : vector<1x16xf32> to vector<16xf32>
        %mul3A_367 = arith.constant 4 : i32
        %mul3A_368 = arith.muli %mul3A_367, %scan3A_117 : i32
        %add3A_369 = arith.constant 3 : i32
        %add3A_370 = arith.addi %mul3A_368, %add3A_369 : i32
        %get3A_371 = arith.index_cast %add3A_370 : i32 to index
        %get3A_372 = arith.constant 96 : index
        %get3A_373 = tpu.vector_load %arg9[%get3A_371, %get3A_372] {strides = array<i32>} : memref<96x128xf32, #tpu.memory_space<vmem>>, vector<1x16xf32>,
        %get3A_374 = vector.shape_cast %get3A_373 : vector<1x16xf32> to vector<16xf32>
        %max3A_375 = arith.maximumf %get3A_366, %get3A_374 : vector<16xf32>
        %max3A_376 = arith.maximumf %max3A_358, %max3A_375 : vector<16xf32>
        %swap3A_377 = arith.index_cast %scan3A_117 : i32 to index
        %swap3A_378 = arith.constant 96 : index
        %swap3A_379 = tpu.vector_load %arg11[%swap3A_377, %swap3A_378] {strides = array<i32>} : memref<24x128xf32, #tpu.memory_space<vmem>>, vector<1x16xf32>,
        %swap3A_380 = vector.shape_cast %swap3A_379 : vector<1x16xf32> to vector<16xf32>
        %swap3A_381 = vector.shape_cast %max3A_376 : vector<16xf32> to vector<1x16xf32>
        tpu.vector_store %arg11[%swap3A_377, %swap3A_378], %swap3A_381 {strides = array<i32>} : memref<24x128xf32, #tpu.memory_space<vmem>>, vector<1x16xf32>,
        %mul3A_382 = arith.constant 4 : i32
        %mul3A_383 = arith.muli %mul3A_382, %scan3A_117 : i32
        %get3A_384 = arith.index_cast %mul3A_383 : i32 to index
        %get3A_385 = arith.constant 112 : index
        %get3A_386 = tpu.vector_load %arg9[%get3A_384, %get3A_385] {strides = array<i32>} : memref<96x128xf32, #tpu.memory_space<vmem>>, vector<1x16xf32>,
        %get3A_387 = vector.shape_cast %get3A_386 : vector<1x16xf32> to vector<16xf32>
        %mul3A_388 = arith.constant 4 : i32
        %mul3A_389 = arith.muli %mul3A_388, %scan3A_117 : i32
        %add3A_390 = arith.constant 1 : i32
        %add3A_391 = arith.addi %mul3A_389, %add3A_390 : i32
        %get3A_392 = arith.index_cast %add3A_391 : i32 to index
        %get3A_393 = arith.constant 112 : index
        %get3A_394 = tpu.vector_load %arg9[%get3A_392, %get3A_393] {strides = array<i32>} : memref<96x128xf32, #tpu.memory_space<vmem>>, vector<1x16xf32>,
        %get3A_395 = vector.shape_cast %get3A_394 : vector<1x16xf32> to vector<16xf32>
        %max3A_396 = arith.maximumf %get3A_387, %get3A_395 : vector<16xf32>
        %mul3A_397 = arith.constant 4 : i32
        %mul3A_398 = arith.muli %mul3A_397, %scan3A_117 : i32
        %add3A_399 = arith.constant 2 : i32
        %add3A_400 = arith.addi %mul3A_398, %add3A_399 : i32
        %get3A_401 = arith.index_cast %add3A_400 : i32 to index
        %get3A_402 = arith.constant 112 : index
        %get3A_403 = tpu.vector_load %arg9[%get3A_401, %get3A_402] {strides = array<i32>} : memref<96x128xf32, #tpu.memory_space<vmem>>, vector<1x16xf32>,
        %get3A_404 = vector.shape_cast %get3A_403 : vector<1x16xf32> to vector<16xf32>
        %mul3A_405 = arith.constant 4 : i32
        %mul3A_406 = arith.muli %mul3A_405, %scan3A_117 : i32
        %add3A_407 = arith.constant 3 : i32
        %add3A_408 = arith.addi %mul3A_406, %add3A_407 : i32
        %get3A_409 = arith.index_cast %add3A_408 : i32 to index
        %get3A_410 = arith.constant 112 : index
        %get3A_411 = tpu.vector_load %arg9[%get3A_409, %get3A_410] {strides = array<i32>} : memref<96x128xf32, #tpu.memory_space<vmem>>, vector<1x16xf32>,
        %get3A_412 = vector.shape_cast %get3A_411 : vector<1x16xf32> to vector<16xf32>
        %max3A_413 = arith.maximumf %get3A_404, %get3A_412 : vector<16xf32>
        %max3A_414 = arith.maximumf %max3A_396, %max3A_413 : vector<16xf32>
        %swap3A_415 = arith.index_cast %scan3A_117 : i32 to index
        %swap3A_416 = arith.constant 112 : index
        %swap3A_417 = tpu.vector_load %arg11[%swap3A_415, %swap3A_416] {strides = array<i32>} : memref<24x128xf32, #tpu.memory_space<vmem>>, vector<1x16xf32>,
        %swap3A_418 = vector.shape_cast %swap3A_417 : vector<1x16xf32> to vector<16xf32>
        %swap3A_419 = vector.shape_cast %max3A_414 : vector<16xf32> to vector<1x16xf32>
        tpu.vector_store %arg11[%swap3A_415, %swap3A_416], %swap3A_419 {strides = array<i32>} : memref<24x128xf32, #tpu.memory_space<vmem>>, vector<1x16xf32>,
        %scan3A_420 = arith.constant 0 : i32
        scf.yield %scan3A_420 : i32
      }
      %scan3A_104 = arith.constant 24 : i32
      %add3A_105 = arith.constant 1 : i32
      %add3A_106 = arith.addi %mul3A_38, %add3A_105 : i32
      %mul3A_107 = arith.constant 24 : i32
      %mul3A_108 = arith.muli %add3A_106, %mul3A_107 : i32
      %add3A_109 = arith.addi %mul3A_0, %mul3A_108 : i32
      %dma_start3A_110 = arith.constant 0 : i32
      %dma_start3A_111 = tpu.memref_slice %arg4[%arg0, %add3A_109, %dma_start3A_110] : memref<2x49152x128xf32, #tpu.memory_space<hbm>> -> memref<1x24x128xf32, #tpu.memory_space<hbm>>
      %dma_start3A_112 = tpu.memref_squeeze %dma_start3A_111 : memref<1x24x128xf32, #tpu.memory_space<hbm>> -> memref<24x128xf32, #tpu.memory_space<hbm>>
      %dma_start3A_113 = arith.constant 0 : i32
      %dma_start3A_114 = tpu.memref_slice %arg4[%arg0, %add3A_109, %dma_start3A_113] : memref<2x49152x128xf32, #tpu.memory_space<hbm>> -> memref<1x24x128xf32, #tpu.memory_space<hbm>>
      %dma_start3A_115 = tpu.memref_squeeze %dma_start3A_114 : memref<1x24x128xf32, #tpu.memory_space<hbm>> -> memref<24x128xf32, #tpu.memory_space<hbm>>
      tpu.enqueue_dma source(%arg11 : memref<24x128xf32, #tpu.memory_space<vmem>>) target(%dma_start3A_115 : memref<24x128xf32, #tpu.memory_space<hbm>>) target_semaphore(%arg14 : memref<!tpu.dma_semaphore, #tpu.memory_space<semaphore_mem>>)
      %scan3A_116 = arith.constant 0 : i32
      scf.yield %scan3A_116 : i32
    }
    %scan3A_23 = arith.constant 64 : i32
    %dma_wait3A = arith.constant 0 : i32
    %dma_wait3A_24 = tpu.memref_slice %arg4[%arg0, %mul3A_0, %dma_wait3A] : memref<2x49152x128xf32, #tpu.memory_space<hbm>> -> memref<1x24x128xf32, #tpu.memory_space<hbm>>
    %dma_wait3A_25 = tpu.memref_squeeze %dma_wait3A_24 : memref<1x24x128xf32, #tpu.memory_space<hbm>> -> memref<24x128xf32, #tpu.memory_space<hbm>>
    %dma_wait3A_26 = arith.constant 0 : i32
    %dma_wait3A_27 = tpu.memref_slice %arg4[%arg0, %mul3A_0, %dma_wait3A_26] : memref<2x49152x128xf32, #tpu.memory_space<hbm>> -> memref<1x24x128xf32, #tpu.memory_space<hbm>>
    %dma_wait3A_28 = tpu.memref_squeeze %dma_wait3A_27 : memref<1x24x128xf32, #tpu.memory_space<hbm>> -> memref<24x128xf32, #tpu.memory_space<hbm>>
    tpu.wait_dma2 semaphore(%arg14 : memref<!tpu.dma_semaphore, #tpu.memory_space<semaphore_mem>>) src(%arg10 : memref<24x128xf32, #tpu.memory_space<vmem>>) dst(%dma_wait3A_28 : memref<24x128xf32, #tpu.memory_space<hbm>>)
    %dma_wait3A_29 = arith.constant 0 : i32
    %dma_wait3A_30 = tpu.memref_slice %arg4[%arg0, %mul3A_0, %dma_wait3A_29] : memref<2x49152x128xf32, #tpu.memory_space<hbm>> -> memref<1x24x128xf32, #tpu.memory_space<hbm>>
    %dma_wait3A_31 = tpu.memref_squeeze %dma_wait3A_30 : memref<1x24x128xf32, #tpu.memory_space<hbm>> -> memref<24x128xf32, #tpu.memory_space<hbm>>
    %dma_wait3A_32 = arith.constant 0 : i32
    %dma_wait3A_33 = tpu.memref_slice %arg4[%arg0, %mul3A_0, %dma_wait3A_32] : memref<2x49152x128xf32, #tpu.memory_space<hbm>> -> memref<1x24x128xf32, #tpu.memory_space<hbm>>
    %dma_wait3A_34 = tpu.memref_squeeze %dma_wait3A_33 : memref<1x24x128xf32, #tpu.memory_space<hbm>> -> memref<24x128xf32, #tpu.memory_space<hbm>>
    tpu.wait_dma2 semaphore(%arg14 : memref<!tpu.dma_semaphore, #tpu.memory_space<semaphore_mem>>) src(%arg11 : memref<24x128xf32, #tpu.memory_space<vmem>>) dst(%dma_wait3A_34 : memref<24x128xf32, #tpu.memory_space<hbm>>)
    return
  }
}

</mosaic_0001>

<sc_bundles>
// kernel: kernel.3.cloned.1.call-start
scs
__scs_entry_jumppad:
0x0: {  	(pc) =	sbr.rel $0x88, $3  }
0x1: {  	(tag) =	ssettag $0x0;
	lr =	simm.s32 $0x1  }
0x2: {  	[smem:$0x3F9F] =	sst lr;
	_ =	strace $0xD0000000  }
0x3: {  	_ = 	snop  }
0x4: {  	_ = 	snop  }
0x5: {  	_ = 	snop  }
0x6: {  	_ = 	snop  }
0x7: {  	_ = 	snop  }
__scs_overlays_trampoline_lowered:
0x8: {  	[smem:$0x3FAE] =	sst s0  }
0x9: {  	[smem:$0x3FAF] =	sst s1  }
0xa: {  	[smem:$0x3FB0] =	sst s2  }
0xb: {  	[smem:$0x3FB1] =	sst s3  }
0xc: {  	[smem:$0x3FB2] =	sst s4  }
0xd: {  	[smem:$0x3FB3] =	sst s5  }
0xe: {  	[smem:$0x3FB4] =	sst s6  }
0xf: {  	[smem:$0x3FB5] =	sst s7  }
0x10: {  	[smem:$0x3FB6] =	sst s8  }
0x11: {  	[smem:$0x3FB7] =	sst s9;
	s0 =	simm.s32 @!p0 $0x0  }
0x12: {  	s1 =	sld [smem:$0x3F9D];
	s0 =	simm.s32 @p0 $0x1  }
0x13: {  	[smem:$0x3FB8] =	sst s0;
	s0 =	simm.s32 @!p1 $0x0  }
0x14: {  	s2 =	sld [smem:$0x3F9C];
	s0 =	simm.s32 @p1 $0x1  }
0x15: {  	[smem:$0x3FB9] =	sst s0;
	s0 =	simm.s32 @!p2 $0x0  }
0x16: {  	s3 =	sld [smem:$0x3FDB];
	s0 =	simm.s32 @p2 $0x1  }
0x17: {  	s4 =	simm.s32 $0x1BF5;
	[smem:$0x3FBB] =	sst s0  }
0x18: {  	s0 =	sld [smem:$0x3F9E];
	_ =	swait.ge [sflag:s4], $0x0  }
0x19: {  	s7 =	sld [smem:$0x3F9F]  }
0x1a: {  	s8 =	sadd.s32 $0xFFFFE003, lr  }
0x1b: {  	s9 =	sadd.s32 $0xFFFFFEF7, lr;
	s5 =	simm.s32 $0xFFFFFFFF;
	p2 =	slt.u32 s8, $0xFFFFF086  }
0x1c: {  	p1 =	slt.u32 s9, $0xF7A;
	s5 =	simm.s32 @!p2 $0x0  }
0x1d: {  	s5 =	simm.s32 @p1 $0x1;
	p0 =	seq.s32 s7, s2  }
0x1e: {  	s7 =	smul.u32 @!p0 $0xF7A, s2;
	p2 =	seq.s32 @!p0 s5, $0x0  }
0x1f: {  	s9 =	smul.u32 $0xF7A, s1;
	s8 =	simm.s32 @!p0 $0x1BF5;
	p2 =	por !p2, p0  }
0x20: {  	[sflag:s8] =	ssyncset.s32 @!p0 $0xFFFFF086;
	s6 =	sadd.s32 @!p0 s3, s7;
	s7 =	simm.s32 @!p0 $0x108  }
0x21: {  	s3 =	sadd.s32 s3, s9;
	s6 =	sadd.s32 @!p0 $0x88, s6;
	s7 =	simm.s32 @p2 $0x1082  }
0x22: {  	[simem:s7], [sflag:s8] =	dma.local @!p0 [hbm:s6], $0xF7A  }
0x23: {  	s9 =	sor.u32 $0xD0000000, s2;
	s6 =	simm.s32 $0x108;
	_ =	swait.ge @!p0 [sflag:s8], $0x0  }
0x24: {  	s3 =	sadd.s32 $0x88, s3;
	s6 =	simm.s32 @!p1 $0x1082;
	[sflag:s4] =	ssyncset.s32 $0xFFFFF086  }
0x25: {  	[simem:s6], [sflag:s4] =	dma.local [hbm:s3], $0xF7A  }
0x26: {  	[smem:$0x3F9F] =	sst s1;
	(tag) =	ssettag s2;
	_ =	strace s9  }
0x27: {  	s1 =	sld [smem:$0x3FAF]  }
0x28: {  	s2 =	sld [smem:$0x3FB0]  }
0x29: {  	s4 =	sld [smem:$0x3FB2]  }
0x2a: {  	p0 =	seq.s32 s5, $0x0;
	s5 =	sld [smem:$0x3FB3]  }
0x2b: {  	s6 =	sld [smem:$0x3FB4]  }
0x2c: {  	s7 =	sld [smem:$0x3FB5]  }
0x2d: {  	s3 =	simm.s32 $0x108;
	s8 =	sld [smem:$0x3FB6]  }
0x2e: {  	s3 =	simm.s32 @!p0 $0x1082;
	s9 =	sld [smem:$0x3FB7]  }
0x2f: {  	lr =	sadd.s32 s0, s3;
	s0 =	sld [smem:$0x3FAE]  }
0x30: {  	s3 =	sld [smem:$0x3FB1]  }
0x31: {  	[smem:$0x3FBA] =	sst s10  }
0x32: {  	s10 =	sld [smem:$0x3FB8];
	_ =	sdelay $0x3  }
0x33: {  	p0 =	seq.s32 s10, $0x1;
	s10 =	sld [smem:$0x3FBA];
	_ =	sdelay $0x3  }
0x34: {  	[smem:$0x3FBA] =	sst s10  }
0x35: {  	s10 =	sld [smem:$0x3FB9];
	_ =	sdelay $0x3  }
0x36: {  	p1 =	seq.s32 s10, $0x1;
	s10 =	sld [smem:$0x3FBA];
	_ =	sdelay $0x3  }
0x37: {  	[smem:$0x3FBA] =	sst s10  }
0x38: {  	s10 =	sld [smem:$0x3FBB]  }
0x39: {  	_ = 	snop;
	(pc) =	sbr.ind lr, $3  }
0x3a: {  	_ = 	snop  }
0x3b: {  	_ = 	snop  }
0x3c: {  	p2 =	seq.s32 s10, $0x1;
	s10 =	sld [smem:$0x3FBA]  }
0x3d: {  	_ =	shalt  }
0x3e: {  	_ =	shalt  }
0x3f: {  	_ =	shalt  }
0x40: {  	_ =	shalt  }
0x41: {  	_ =	shalt  }
0x42: {  	_ =	shalt  }
0x43: {  	_ =	shalt  }
0x44: {  	_ =	shalt  }
0x45: {  	_ =	shalt  }
0x46: {  	_ =	shalt  }
0x47: {  	_ =	shalt  }
0x48: {  	_ =	shalt  }
0x49: {  	_ =	shalt  }
0x4a: {  	_ =	shalt  }
0x4b: {  	_ =	shalt  }
0x4c: {  	_ =	shalt  }
0x4d: {  	_ =	shalt  }
0x4e: {  	_ =	shalt  }
0x4f: {  	_ =	shalt  }
0x50: {  	_ =	shalt  }
0x51: {  	_ =	shalt  }
0x52: {  	_ =	shalt  }
0x53: {  	_ =	shalt  }
0x54: {  	_ =	shalt  }
0x55: {  	_ =	shalt  }
0x56: {  	_ =	shalt  }
0x57: {  	_ =	shalt  }
0x58: {  	_ =	shalt  }
0x59: {  	_ =	shalt  }
0x5a: {  	_ =	shalt  }
0x5b: {  	_ =	shalt  }
0x5c: {  	_ =	shalt  }
0x5d: {  	_ =	shalt  }
0x5e: {  	_ =	shalt  }
0x5f: {  	_ =	shalt  }
0x60: {  	_ =	shalt  }
0x61: {  	_ =	shalt  }
0x62: {  	_ =	shalt  }
0x63: {  	_ =	shalt  }
0x64: {  	_ =	shalt  }
0x65: {  	_ =	shalt  }
0x66: {  	_ =	shalt  }
0x67: {  	_ =	shalt  }
0x68: {  	_ =	shalt  }
0x69: {  	_ =	shalt  }
0x6a: {  	_ =	shalt  }
0x6b: {  	_ =	shalt  }
0x6c: {  	_ =	shalt  }
0x6d: {  	_ =	shalt  }
0x6e: {  	_ =	shalt  }
0x6f: {  	_ =	shalt  }
0x70: {  	_ =	shalt  }
0x71: {  	_ =	shalt  }
0x72: {  	_ =	shalt  }
0x73: {  	_ =	shalt  }
0x74: {  	_ =	shalt  }
0x75: {  	_ =	shalt  }
0x76: {  	_ =	shalt  }
0x77: {  	_ =	shalt  }
0x78: {  	_ =	shalt  }
0x79: {  	_ =	shalt  }
0x7a: {  	_ =	shalt  }
0x7b: {  	_ =	shalt  }
0x7c: {  	_ =	shalt  }
0x7d: {  	_ =	shalt  }
0x7e: {  	_ =	shalt  }
0x7f: {  	_ =	shalt  }
0x80: {  	_ =	shalt  }
0x81: {  	_ =	shalt  }
0x82: {  	_ =	shalt  }
0x83: {  	_ =	shalt  }
0x84: {  	_ =	shalt  }
0x85: {  	_ =	shalt  }
0x86: {  	_ =	shalt  }
0x87: {  	_ =	shalt  }
.Lfunc_end0:
.L_simem_size_0:
called_computation.2_lowered:
.L_overlay_start_0:
0x88: {  	s2 =	sld [smem:$0x3FD9]  }
0x89: {  	s3 =	sld [smem:$0x3FFE];
	_ =	sdelay $0x1  }
0x8a: {  	s1 =	srdreg.scid  }
0x8b: {  	s0 =	sand.u32 $0x1, s1  }
0x8c: {  	s17 =	sshll.u32 s0, $0xA;
	s2 =	sadd.s32 s3, s2  }
0x8d: {  	s2 =	sadd.s32 s2, s17  }
0x8e: {  	[smem:$0x3FC6] =	sst s2  }
0x8f: {  	_ = 	snop  }
0x90: {  	s2 =	sld [smem:$0x3FD0];
	(tm) =	ssettm $0x1  }
0x91: {  	s18 =	sld [smem:$0x3FFB];
	_ =	sdelay $0x3  }
0x92: {  	_ =	strace s18  }
0x93: {  	s3 =	sld [smem:$0x3FFC];
	_ =	sdelay $0x3  }
0x94: {  	_ =	strace s3  }
0x95: {  	s3 =	sld [smem:$0x3FFD];
	_ =	sdelay $0x3  }
0x96: {  	_ =	strace s3  }
0x97: {  	_ =	strace $0x8FFFFFFF  }
0x98: {  	s19 =	sld [smem:$0x3FDB];
	_ =	sdelay $0x1  }
0x99: {  	s4 =	simm.s32 $_scs_section_size  }
0x9a: {  	s5 =	simm.s32 $_size__tile_overlayer_lowered;
	s6 =	simm.s32 $_tile_overlayer_lowered  }
0x9b: {  	s22 =	simm.s32 $0x1BFF;
	s21 =	sshll.u32 s6, $0x1;
	s3 =	sadd.s32 s4, s19  }
0x9c: {  	s7 =	simm.s32 $0x0;
	s20 =	sshll.u32 s5, $0x1;
	s5 =	sadd.s32 s21, s3  }
0x9d: {  	[timem:s7], [sflag:s22] =	dma.local [hbm:s5], s20  }
0x9e: {  	_ =	swait.ge [sflag:s22], s20  }
0x9f: {  	s4 =	ssub.s32 $0x0, s20;
	[sflag:s22] =	ssyncset.done $0x0  }
0xa0: {  	[sflag:s22] =	ssyncadd.s32 s4;
	_ =	sdelay $0x1  }
0xa1: {  	s23 =	simm.s32 $0x1B8B  }
0xa2: {  	_ =	swait.ge [sflag:s23], $0x1  }
0xa3: {  	[sflag:s23] =	ssyncset.done $0x0  }
0xa4: {  	s25 =	simm.s32 $0x1B8E;
	s24 =	sld [smem:$0x3FFE];
	[sflag:s23] =	ssyncadd.s32 $0xFFFFFFFF  }
0xa5: {  	s26 =	simm.s32 $execute0_lowered;
	[smem:$0x3FD2] =	sst s25  }
0xa6: {  	s5 =	sshll.u32 s26, $0x1;
	_ =	strace $0x80000046;
	[dreg:$0x1] =	wrdreg $0xFFFFFFFF  }
0xa7: {  	s28 =	simm.s32 $_size_execute0_lowered;
	s3 =	sadd.s32 s3, s5;
	[dreg:$0x0] =	wrdreg $0x0  }
0xa8: {  	s5 =	sshll.u32 s28, $0x1;
	[dreg:$0x2] =	wrdreg s3  }
0xa9: {  	[dreg:$0x3] =	wrdreg s5  }
0xaa: {  	[dreg:$0x4] =	wrdreg $0xC0  }
0xab: {  	_ =	task [dreg:s7], $0x5FFFF  }
0xac: {  	[dreg:$0x1] =	wrdreg $0xFFFFFFFF  }
0xad: {  	[dreg:$0x0] =	wrdreg $0x60  }
0xae: {  	[dreg:$0x2] =	wrdreg s2  }
0xaf: {  	[dreg:$0x3] =	wrdreg s24  }
0xb0: {  	[dreg:$0x4] =	wrdreg $0x0  }
0xb1: {  	[dreg:$0x5] =	wrdreg $0x9  }
0xb2: {  	_ =	task.clear_ibuf [dreg:s7], $0x6FFFF;
	_ =	strace $0x90000046  }
0xb3: {  	s29 =	simm.s32 $0x9;
	_ =	strace $0x80000048  }
0xb4: {  	_ =	swait.ge [sflag:s29], $0x1  }
0xb5: {  	[sflag:s29] =	ssyncadd.s32 $0xFFFFFFFF  }
0xb6: {  	_ =	strace $0x90000048  }
0xb7: {  	_ =	sfence  }
0xb8: {  	s30 =	sld [smem:$0x0];
	_ =	sdelay $0x2  }
0xb9: {  	s31 =	sshll.u32 s1, $0xD;
	s1 =	sshrl.u32 s1, $0x2  }
0xba: {  	s3 =	sand.u32 $0x4000, s31;
	s1 =	sadd.s32 s1, s30  }
0xbb: {  	s0 =	sor.u32 s3, s0;
	s1 =	sshll.u32 s1, $0x11  }
0xbc: {  	s0 =	sor.u32 s1, s0  }
0xbd: {  	s0 =	sadd.s32 $0x8F2B, s0  }
0xbe: {  	[sflag:s0] =	ssyncadd.remote.s32 $0x1  }
0xbf: {  	_ =	sfence.sel $0xFFFF  }
0xc0: {  	[dreg:$0x0] =	wrdreg $0xFFFFFFFF;
	(pc) =	sbr.abs _section_cstart, $3  }
0xc1: {  	[dreg:$0x1] =	wrdreg $0xFFFFFFFF  }
0xc2: {  	_ =	task.clear_ibuf [dreg:s7], $0x2FFFF;
	_ =	strace $0x9FFFFFFF  }
0xc3: {  	(tm) =	ssettm $0x7FFFFFFF  }
tec
execute0_lowered:
.L_overlay_start_1:
0x0: {  	(tag) =	ssettag $0x1  }
0x1: {  	s0 =	rddreg [dreg:$0x0]  }
0x2: {  	s1 =	rddreg [dreg:$0x1];
	s12 =	stileid.u32  }
0x3: {  	s2 =	rddreg [dreg:$0x2];
	s6 =	srdreg.scid  }
0x4: {  	s16 =	simm.s32 $0x13900;
	s17 =	simm.s32 $0x4;
	s18 =	simm.s32 $0x60  }
0x5: {  	s19 =	simm.s32 $0x15100;
	s20 =	simm.s32 $0x18100;
	s21 =	simm.s32 $0x1B100  }
0x6: {  	s22 =	simm.s32 $0x1;
	s23 =	simm.s32 $0x1E100;
	s24 =	simm.s32 $0x2  }
0x7: {  	s25 =	simm.s32 $0x3;
	s26 =	simm.s32 $0x1ED00;
	s7 =	smul.u32 $0x14000, s12  }
0x8: {  	s28 =	simm.s32 $0x0;
	s3 =	sshrl.u32 s12, $0x3;
	s10 =	smul.u32 $0x50000, s12  }
0x9: {  	s5 =	sshll.u32 s12, $0x7;
	s9 =	sand.u32 $0x1, s6;
	s4 =	smul.u32 $0xC000, s3  }
0xa: {  	p0 =	seq.s32 s12, $0xF;
	s3 =	simm.s32 $0x0;
	s6 =	smul.u32 $0x139000, s9  }
0xb: {  	s5 =	sand.u32 $0x380, s5;
	s30 =	ssub.s32 $0x2, s9;
	s9 =	smul.u32 $0x600000, s9  }
0xc: {  	[smem:$0x7FF] =	sst s3;
	s31 =	sshrl.u32 s30, $0x1;
	s10 =	sshrl.u32 s10, $0x2  }
0xd: {  	s4 =	sor.u32 s5, s4;
	_ =	strace $0x80000047;
	s5 =	smul.u32 $0xC00, s12  }
0xe: {  	s7 =	sadd.s32 s7, s6;
	s11 =	sshrl.u32 s6, $0x3;
	s13 =	sadd.s32 s10, s2  }
0xf: {  	s4 =	sshrl.u32 s4, $0x3;
	s7 =	sshrl.u32 s7, $0x3;
	s13 =	sshrl.u32 @!p0 s13, $0x3  }
0x10: {  	s8 =	sadd.s32 s4, s1;
	s4 =	sadd.s32 $0x52200, s1;
	s1 =	ssub.s32 s30, s31  }
0x11: {  	s6 =	sadd.s32 s0, s7;
	s0 =	sadd.s32 s0, s11;
	s11 =	sadd.s32 $0x12C000, s2  }
0x12: {  	s7 =	sadd.s32 $0x25800, s0;
	s8 =	sadd.s32 $0x4F200, s8;
	s0 =	sshll.u32 @!p0 s12, $0x6  }
0x13: {  	s10 =	smax.u32 s1, $0x1;
	s11 =	sshrl.u32 @p0 s11, $0x3;
	s12 =	sor.u32 @!p0 $0x1C04, s0  }
.LBB2_1:
0x14: {  	s0 =	simm.s32 @p0 $0x1FC4  }
0x15: {  	[spmem:s11], [sflag:s0] =	dma.local @p0 [hbm:s7], $0x1A00  }
0x16: {  	s0 =	simm.s32 @p0 $0x4  }
0x17: {  	_ =	swait.ge @p0 [sflag:s0], $0x1A00  }
0x18: {  	[sflag:s0] =	ssyncset.done @p0 $0x0  }
0x19: {  	[sflag:s0] =	ssyncadd.s32 @p0 $0xFFFFE600;
	s0 =	simm.s32 @!p0 $0x4  }
0x1a: {  	[spmem:s13], [sflag:s12] =	dma.local @!p0 [hbm:s6], $0x2800  }
0x1b: {  	_ =	swait.ge @!p0 [sflag:s0], $0x2800  }
0x1c: {  	[sflag:s0] =	ssyncset.done @!p0 $0x0  }
0x1d: {  	[sflag:s0] =	ssyncadd.s32 @!p0 $0xFFFFD800  }
0x1e: {  	s30 =	simm.s32 $0x80;
	s1 =	simm.s32 $0x400;
	[bflag:$0x0] =	sbarrier.arrive $0xFFFF  }
0x1f: {  	[tilespmem:s16], [sflag:$0x4] =	stream.strided.gather [hbm4b:s8+s30], $0x1800, s1, s30, $0x38;
	[tilespmem:$0x1F900] =	vst v63  }
0x20: {  	_ =	swait.ge [sflag:s17], $0x1800  }
0x21: {  	[sflag:s17] =	ssyncset.done $0x0  }
0x22: {  	s31 =	simm.s32 $0x0;
	[sflag:s17] =	ssyncadd.s32 $0xFFFFE800  }
0x23: {  	v0 =	vld [tilespmem:s31+$0x13900];
	_ =	sdelay $0x4  }
0x24: {  	s0 =	simm.s32 $0x15110;
	v1 =	vand.u32 $0xFFFF, v0  }
0x25: {  	v0 =	vshra.s32 v0, $0x10;
	[tilespmem:s0+$0xFFFFFFF0] =	vst v1  }
0x26: {  	s14 =	simm.s32 $0x10;
	s1 =	simm.s32 $0x80;
	[tilespmem:s0+$0x0] =	vst v0  }
.LBB2_2:
0x27: {  	p1 =	sne.s32 s1, $0x5FC0;
	v0 =	vld [tilespmem:s14+$0x13900];
	_ =	sdelay $0x2  }
.Ltmp0:
0x28: {  	(pc) =	sbr.rel @p1 .LBB2_2-.Ltmp0, $4  }
0x29: {  	_ = 	snop  }
0x2a: {  	s0 =	sadd.s32 $0x20, s0;
	v1 =	vand.u32 $0xFFFF, v0;
	v0 =	vshra.s32 v0, $0x10  }
0x2b: {  	[tilespmem:s0+$0xFFFFFFF0] =	vst v1  }
0x2c: {  	s14 =	sshra.s32 s1, $0x2;
	s1 =	sadd.s32 $0x40, s1;
	[tilespmem:s0+$0x0] =	vst v0  }
0x2d: {  	v0 =	vld [tilespmem:s14+$0x13900];
	_ =	sdelay $0x4  }
0x2e: {  	s0 =	sadd.s32 $0x20, s0;
	v1 =	vand.u32 $0xFFFF, v0  }
0x2f: {  	v0 =	vshra.s32 v0, $0x10;
	[tilespmem:s0+$0xFFFFFFF0] =	vst v1  }
0x30: {  	s29 =	simm.s32 $0x0;
	[tilespmem:s0+$0x0] =	vst v0  }
0x31: {  	[tilespmem:s20], [sflag:$0x1] =	stream.indirect.gather [spmem:s2], $0x80, s19, s18, $0xb8;
	[tilespmem:$0x1F900] =	vst v63  }
.LBB2_4:
0x32: {  	s30 =	sshllo.u32 s29, $0x1  }
0x33: {  	s0 =	smul.u32 $0x180, s30;
	_ =	sdelay $0x1  }
0x34: {  	s0 =	sshra.s32 s0, $0x2  }
0x35: {  	s0 =	sadd.s32 $0x15100, s0  }
0x36: {  	[tilespmem:s21], [sflag:$0x2] =	stream.indirect.gather [spmem:s2], $0x80, s0, s18, $0xb8;
	[tilespmem:$0x1F900] =	vst v63  }
0x37: {  	_ =	swait.ge [sflag:s22], $0x3000  }
0x38: {  	p1 =	seq.s32 s29, $0x0;
	[sflag:s22] =	ssyncset.done $0x0  }
0x39: {  	s0 =	simm.s32 @!p1 $0x3;
	[sflag:s22] =	ssyncadd.s32 $0xFFFFD000  }
0x3a: {  	_ =	swait.ge @!p1 [sflag:s0], $0xC00  }
0x3b: {  	[sflag:s0] =	ssyncset.done @!p1 $0x0  }
0x3c: {  	s31 =	simm.s32 $0x18200;
	[sflag:s0] =	ssyncadd.s32 @!p1 $0xFFFFF400  }
0x3d: {  	v0 =	vld [tilespmem:s31+$0xFFFFFF00]  }
0x3e: {  	v1 =	vld [tilespmem:s31+$0x80]  }
0x3f: {  	v2 =	vld [tilespmem:s31+$0x0]  }
0x40: {  	v3 =	vld [tilespmem:s31+$0xFFFFFF80];
	_ =	sdelay $0x4  }
0x41: {  	v1 =	vmax.f32 v2, v1;
	v0 =	vmax.f32 v0, v3  }
0x42: {  	s1 =	simm.s32 $0x0;
	v0 =	vmax.f32 v0, v1  }
0x43: {  	[tilespmem:s1+$0x1E100] =	vst v0  }
0x44: {  	v0 =	vld [tilespmem:s31+$0x90]  }
0x45: {  	v47 =	vld [tilespmem:s31+$0xFFFFFF90]  }
0x46: {  	v48 =	vld [tilespmem:s31+$0x10]  }
0x47: {  	v49 =	vld [tilespmem:s31+$0xFFFFFF10];
	_ =	sdelay $0x4  }
0x48: {  	v0 =	vmax.f32 v48, v0;
	v1 =	vmax.f32 v49, v47  }
0x49: {  	v0 =	vmax.f32 v1, v0  }
0x4a: {  	[tilespmem:s1+$0x1E110] =	vst v0  }
0x4b: {  	v0 =	vld [tilespmem:s31+$0xFFFFFF20]  }
0x4c: {  	v50 =	vld [tilespmem:s31+$0xFFFFFFA0]  }
0x4d: {  	v51 =	vld [tilespmem:s31+$0xA0]  }
0x4e: {  	v52 =	vld [tilespmem:s31+$0x20];
	_ =	sdelay $0x4  }
0x4f: {  	v0 =	vmax.f32 v0, v50;
	v53 =	vmax.f32 v52, v51  }
0x50: {  	v0 =	vmax.f32 v0, v53  }
0x51: {  	[tilespmem:s1+$0x1E120] =	vst v0  }
0x52: {  	v0 =	vld [tilespmem:s31+$0xB0]  }
0x53: {  	v54 =	vld [tilespmem:s31+$0xFFFFFFB0]  }
0x54: {  	v55 =	vld [tilespmem:s31+$0xFFFFFF30]  }
0x55: {  	v56 =	vld [tilespmem:s31+$0x30];
	_ =	sdelay $0x4  }
0x56: {  	v1 =	vmax.f32 v55, v54;
	v0 =	vmax.f32 v56, v0  }
0x57: {  	v0 =	vmax.f32 v1, v0  }
0x58: {  	[tilespmem:s1+$0x1E130] =	vst v0  }
0x59: {  	v0 =	vld [tilespmem:s31+$0xC0]  }
0x5a: {  	v57 =	vld [tilespmem:s31+$0xFFFFFFC0]  }
0x5b: {  	v58 =	vld [tilespmem:s31+$0x40]  }
0x5c: {  	v59 =	vld [tilespmem:s31+$0xFFFFFF40];
	_ =	sdelay $0x4  }
0x5d: {  	v0 =	vmax.f32 v58, v0;
	v1 =	vmax.f32 v59, v57  }
0x5e: {  	v0 =	vmax.f32 v1, v0  }
0x5f: {  	[tilespmem:s1+$0x1E140] =	vst v0  }
0x60: {  	v0 =	vld [tilespmem:s31+$0xFFFFFFD0]  }
0x61: {  	v60 =	vld [tilespmem:s31+$0xFFFFFF50]  }
0x62: {  	v61 =	vld [tilespmem:s31+$0xD0]  }
0x63: {  	v62 =	vld [tilespmem:s31+$0x50];
	_ =	sdelay $0x4  }
0x64: {  	v0 =	vmax.f32 v60, v0;
	v63 =	vmax.f32 v62, v61  }
0x65: {  	v0 =	vmax.f32 v0, v63  }
0x66: {  	s14 =	simm.s32 $0x18200;
	s0 =	simm.s32 $0x200;
	[tilespmem:s1+$0x1E150] =	vst v0  }
.LBB2_5:
0x67: {  	p2 =	sne.s32 s0, $0x2E00  }
0x68: {  	v0 =	vld [tilespmem:s31+$0xE0];
	s14 =	sadd.s32 $0x200, s14;
	s15 =	smov.u32 s0;
	s0 =	sadd.s32 $0x200, s0  }
0x69: {  	v1 =	vld [tilespmem:s31+$0x60]  }
0x6a: {  	v2 =	vld [tilespmem:s31+$0xFFFFFFE0]  }
0x6b: {  	v3 =	vld [tilespmem:s31+$0xFFFFFF60];
	_ =	sdelay $0x4  }
0x6c: {  	v0 =	vmax.f32 v1, v0;
	v2 =	vmax.f32 v3, v2  }
0x6d: {  	v0 =	vmax.f32 v2, v0  }
0x6e: {  	[tilespmem:s1+$0x1E160] =	vst v0  }
0x6f: {  	v0 =	vld [tilespmem:s31+$0xFFFFFF70]  }
0x70: {  	v1 =	vld [tilespmem:s31+$0xF0]  }
0x71: {  	v2 =	vld [tilespmem:s31+$0x70]  }
0x72: {  	v3 =	vld [tilespmem:s31+$0xFFFFFFF0];
	s31 =	smov.u32 s14;
	_ =	sdelay $0x3  }
0x73: {  	v1 =	vmax.f32 v2, v1  }
0x74: {  	v0 =	vmax.f32 v0, v3  }
0x75: {  	v0 =	vmax.f32 v0, v1  }
0x76: {  	[tilespmem:s1+$0x1E170] =	vst v0  }
0x77: {  	v0 =	vld [tilespmem:s14+$0xFFFFFF00]  }
0x78: {  	v1 =	vld [tilespmem:s14+$0x80]  }
0x79: {  	v2 =	vld [tilespmem:s14+$0x0]  }
0x7a: {  	v3 =	vld [tilespmem:s14+$0xFFFFFF80];
	_ =	sdelay $0x3  }
0x7b: {  	v1 =	vmax.f32 v2, v1  }
0x7c: {  	v0 =	vmax.f32 v0, v3  }
0x7d: {  	s1 =	sshra.s32 s15, $0x2;
	v0 =	vmax.f32 v0, v1  }
0x7e: {  	[tilespmem:s1+$0x1E100] =	vst v0  }
0x7f: {  	v0 =	vld [tilespmem:s14+$0x90]  }
0x80: {  	v1 =	vld [tilespmem:s14+$0xFFFFFF90]  }
0x81: {  	v2 =	vld [tilespmem:s14+$0x10]  }
0x82: {  	v3 =	vld [tilespmem:s14+$0xFFFFFF10];
	_ =	sdelay $0x3  }
0x83: {  	v0 =	vmax.f32 v2, v0  }
0x84: {  	v1 =	vmax.f32 v3, v1  }
0x85: {  	v0 =	vmax.f32 v1, v0  }
0x86: {  	[tilespmem:s1+$0x1E110] =	vst v0  }
0x87: {  	v0 =	vld [tilespmem:s14+$0xFFFFFF20]  }
0x88: {  	v1 =	vld [tilespmem:s14+$0xFFFFFFA0]  }
0x89: {  	v2 =	vld [tilespmem:s14+$0xA0]  }
0x8a: {  	v3 =	vld [tilespmem:s14+$0x20];
	_ =	sdelay $0x2  }
0x8b: {  	v0 =	vmax.f32 v0, v1;
	_ =	sdelay $0x1  }
0x8c: {  	v1 =	vmax.f32 v3, v2  }
0x8d: {  	v0 =	vmax.f32 v0, v1  }
0x8e: {  	[tilespmem:s1+$0x1E120] =	vst v0  }
0x8f: {  	v0 =	vld [tilespmem:s14+$0xB0]  }
0x90: {  	v1 =	vld [tilespmem:s14+$0xFFFFFFB0]  }
0x91: {  	v2 =	vld [tilespmem:s14+$0xFFFFFF30]  }
0x92: {  	v3 =	vld [tilespmem:s14+$0x30];
	_ =	sdelay $0x3  }
0x93: {  	v1 =	vmax.f32 v2, v1  }
0x94: {  	v0 =	vmax.f32 v3, v0  }
0x95: {  	v0 =	vmax.f32 v1, v0  }
0x96: {  	[tilespmem:s1+$0x1E130] =	vst v0  }
0x97: {  	v0 =	vld [tilespmem:s14+$0xC0]  }
0x98: {  	v1 =	vld [tilespmem:s14+$0xFFFFFFC0]  }
0x99: {  	v2 =	vld [tilespmem:s14+$0x40]  }
0x9a: {  	v3 =	vld [tilespmem:s14+$0xFFFFFF40];
	_ =	sdelay $0x3  }
0x9b: {  	v0 =	vmax.f32 v2, v0  }
0x9c: {  	v1 =	vmax.f32 v3, v1  }
0x9d: {  	v0 =	vmax.f32 v1, v0  }
0x9e: {  	[tilespmem:s1+$0x1E140] =	vst v0  }
0x9f: {  	v0 =	vld [tilespmem:s14+$0xFFFFFFD0]  }
0xa0: {  	v1 =	vld [tilespmem:s14+$0xFFFFFF50]  }
0xa1: {  	v2 =	vld [tilespmem:s14+$0xD0]  }
0xa2: {  	v3 =	vld [tilespmem:s14+$0x50];
	_ =	sdelay $0x2  }
.Ltmp1:
0xa3: {  	v0 =	vmax.f32 v1, v0;
	(pc) =	sbr.rel @p2 .LBB2_5-.Ltmp1, $4  }
0xa4: {  	_ = 	snop  }
0xa5: {  	v1 =	vmax.f32 v3, v2  }
0xa6: {  	v0 =	vmax.f32 v0, v1  }
0xa7: {  	[tilespmem:s1+$0x1E150] =	vst v0  }
0xa8: {  	v0 =	vld [tilespmem:s31+$0xE0]  }
0xa9: {  	v1 =	vld [tilespmem:s31+$0x60]  }
0xaa: {  	v2 =	vld [tilespmem:s31+$0xFFFFFFE0]  }
0xab: {  	v3 =	vld [tilespmem:s31+$0xFFFFFF60];
	_ =	sdelay $0x4  }
0xac: {  	v2 =	vmax.f32 v3, v2;
	v0 =	vmax.f32 v1, v0  }
0xad: {  	v0 =	vmax.f32 v2, v0  }
0xae: {  	[tilespmem:s1+$0x1E160] =	vst v0  }
0xaf: {  	v0 =	vld [tilespmem:s31+$0xFFFFFF70]  }
0xb0: {  	v61 =	vld [tilespmem:s31+$0xF0]  }
0xb1: {  	v62 =	vld [tilespmem:s31+$0x70]  }
0xb2: {  	v63 =	vld [tilespmem:s31+$0xFFFFFFF0]  }
0xb3: {  	s0 =	smul.u32 $0x30, s29;
	_ =	sdelay $0x1  }
0xb4: {  	p2 =	sne.s32 s29, $0x3F;
	s0 =	sadd.s32 s5, s0  }
.Ltmp2:
0xb5: {  	s0 =	sshll.u32 s0, $0x7;
	(pc) =	sbr.rel @p2 .LBB2_8-.Ltmp2, $4  }
0xb6: {  	s0 =	sadd.s32 s9, s0;
	v1 =	vmax.f32 v62, v61;
	v0 =	vmax.f32 v0, v63  }
0xb7: {  	s0 =	sshrl.u32 s0, $0x3;
	v0 =	vmax.f32 v0, v1  }
0xb8: {  	s0 =	sadd.s32 s4, s0;
	[tilespmem:s1+$0x1E170] =	vst v0  }
0xb9: {  	[hbm4b:s0+s3] =	stream.linear.scatter [tilespmem:s23], [sflag:$0x3], $0xC00, $0x38;
	[tilespmem:$0x1F900] =	vst v63  }
.Ltmp3:
0xba: {  	(pc) =	sbr.rel .LBB2_9-.Ltmp3, $4  }
0xbb: {  	_ = 	snop  }
0xbc: {  	_ =	swait.ge [sflag:s24], $0x3000  }
0xbd: {  	[sflag:s24] =	ssyncset.done $0x0  }
0xbe: {  	[sflag:s24] =	ssyncadd.s32 $0xFFFFD000  }
.LBB2_8:
0xbf: {  	s0 =	smul.u32 $0x300, s29;
	_ =	sdelay $0x1  }
0xc0: {  	s0 =	sshra.s32 s0, $0x2  }
.Ltmp4:
0xc1: {  	s0 =	sadd.s32 $0x151C0, s0;
	(pc) =	sbr.rel @p1 .LBB2_10-.Ltmp4, $4  }
0xc2: {  	[tilespmem:s20], [sflag:$0x1] =	stream.indirect.gather [spmem:s2], $0x80, s0, s18, $0xb8;
	[tilespmem:$0x1F900] =	vst v63  }
0xc3: {  	_ =	swait.ge [sflag:s24], $0x3000  }
0xc4: {  	[sflag:s24] =	ssyncset.done $0x0  }
0xc5: {  	[sflag:s24] =	ssyncadd.s32 $0xFFFFD000  }
.LBB2_9:
0xc6: {  	_ =	swait.ge [sflag:s25], $0xC00  }
0xc7: {  	[sflag:s25] =	ssyncset.done $0x0  }
0xc8: {  	[sflag:s25] =	ssyncadd.s32 $0xFFFFF400  }
.LBB2_10:
0xc9: {  	s31 =	simm.s32 $0x1B200  }
0xca: {  	v0 =	vld [tilespmem:s31+$0xFFFFFF00]  }
0xcb: {  	v1 =	vld [tilespmem:s31+$0x80]  }
0xcc: {  	v2 =	vld [tilespmem:s31+$0x0]  }
0xcd: {  	v3 =	vld [tilespmem:s31+$0xFFFFFF80];
	_ =	sdelay $0x4  }
0xce: {  	v1 =	vmax.f32 v2, v1;
	v0 =	vmax.f32 v0, v3  }
0xcf: {  	s1 =	simm.s32 $0x0;
	v0 =	vmax.f32 v0, v1  }
0xd0: {  	[tilespmem:s1+$0x1ED00] =	vst v0  }
0xd1: {  	v0 =	vld [tilespmem:s31+$0x90]  }
0xd2: {  	v47 =	vld [tilespmem:s31+$0xFFFFFF90]  }
0xd3: {  	v48 =	vld [tilespmem:s31+$0x10]  }
0xd4: {  	v49 =	vld [tilespmem:s31+$0xFFFFFF10];
	_ =	sdelay $0x4  }
0xd5: {  	v0 =	vmax.f32 v48, v0;
	v1 =	vmax.f32 v49, v47  }
0xd6: {  	v0 =	vmax.f32 v1, v0  }
0xd7: {  	[tilespmem:s1+$0x1ED10] =	vst v0  }
0xd8: {  	v0 =	vld [tilespmem:s31+$0xFFFFFF20]  }
0xd9: {  	v50 =	vld [tilespmem:s31+$0xFFFFFFA0]  }
0xda: {  	v51 =	vld [tilespmem:s31+$0xA0]  }
0xdb: {  	v52 =	vld [tilespmem:s31+$0x20];
	_ =	sdelay $0x4  }
0xdc: {  	v0 =	vmax.f32 v0, v50;
	v53 =	vmax.f32 v52, v51  }
0xdd: {  	v0 =	vmax.f32 v0, v53  }
0xde: {  	[tilespmem:s1+$0x1ED20] =	vst v0  }
0xdf: {  	v0 =	vld [tilespmem:s31+$0xB0]  }
0xe0: {  	v54 =	vld [tilespmem:s31+$0xFFFFFFB0]  }
0xe1: {  	v55 =	vld [tilespmem:s31+$0xFFFFFF30]  }
0xe2: {  	v56 =	vld [tilespmem:s31+$0x30];
	_ =	sdelay $0x4  }
0xe3: {  	v1 =	vmax.f32 v55, v54;
	v0 =	vmax.f32 v56, v0  }
0xe4: {  	v0 =	vmax.f32 v1, v0  }
0xe5: {  	[tilespmem:s1+$0x1ED30] =	vst v0  }
0xe6: {  	v0 =	vld [tilespmem:s31+$0xC0]  }
0xe7: {  	v57 =	vld [tilespmem:s31+$0xFFFFFFC0]  }
0xe8: {  	v58 =	vld [tilespmem:s31+$0x40]  }
0xe9: {  	v59 =	vld [tilespmem:s31+$0xFFFFFF40];
	_ =	sdelay $0x4  }
0xea: {  	v0 =	vmax.f32 v58, v0;
	v1 =	vmax.f32 v59, v57  }
0xeb: {  	v0 =	vmax.f32 v1, v0  }
0xec: {  	[tilespmem:s1+$0x1ED40] =	vst v0  }
0xed: {  	v0 =	vld [tilespmem:s31+$0xFFFFFFD0]  }
0xee: {  	v60 =	vld [tilespmem:s31+$0xFFFFFF50]  }
0xef: {  	v61 =	vld [tilespmem:s31+$0xD0]  }
0xf0: {  	v62 =	vld [tilespmem:s31+$0x50];
	_ =	sdelay $0x4  }
0xf1: {  	v0 =	vmax.f32 v60, v0;
	v63 =	vmax.f32 v62, v61  }
0xf2: {  	v0 =	vmax.f32 v0, v63  }
0xf3: {  	s0 =	simm.s32 $0x200;
	s14 =	simm.s32 $0x1B200;
	[tilespmem:s1+$0x1ED50] =	vst v0  }
.LBB2_11:
0xf4: {  	p1 =	sne.s32 s0, $0x2E00  }
0xf5: {  	v0 =	vld [tilespmem:s31+$0xE0];
	s14 =	sadd.s32 $0x200, s14;
	s15 =	smov.u32 s0;
	s0 =	sadd.s32 $0x200, s0  }
0xf6: {  	v1 =	vld [tilespmem:s31+$0x60]  }
0xf7: {  	v2 =	vld [tilespmem:s31+$0xFFFFFFE0]  }
0xf8: {  	v3 =	vld [tilespmem:s31+$0xFFFFFF60];
	_ =	sdelay $0x4  }
0xf9: {  	v0 =	vmax.f32 v1, v0;
	v2 =	vmax.f32 v3, v2  }
0xfa: {  	v0 =	vmax.f32 v2, v0  }
0xfb: {  	[tilespmem:s1+$0x1ED60] =	vst v0  }
0xfc: {  	v0 =	vld [tilespmem:s31+$0xFFFFFF70]  }
0xfd: {  	v1 =	vld [tilespmem:s31+$0xF0]  }
0xfe: {  	v2 =	vld [tilespmem:s31+$0x70]  }
0xff: {  	v3 =	vld [tilespmem:s31+$0xFFFFFFF0];
	s31 =	smov.u32 s14;
	_ =	sdelay $0x3  }
0x100: {  	v1 =	vmax.f32 v2, v1  }
0x101: {  	v0 =	vmax.f32 v0, v3  }
0x102: {  	v0 =	vmax.f32 v0, v1  }
0x103: {  	[tilespmem:s1+$0x1ED70] =	vst v0  }
0x104: {  	v0 =	vld [tilespmem:s14+$0xFFFFFF00]  }
0x105: {  	v1 =	vld [tilespmem:s14+$0x80]  }
0x106: {  	v2 =	vld [tilespmem:s14+$0x0]  }
0x107: {  	v3 =	vld [tilespmem:s14+$0xFFFFFF80];
	_ =	sdelay $0x3  }
0x108: {  	v1 =	vmax.f32 v2, v1  }
0x109: {  	v0 =	vmax.f32 v0, v3  }
0x10a: {  	s1 =	sshra.s32 s15, $0x2;
	v0 =	vmax.f32 v0, v1  }
0x10b: {  	[tilespmem:s1+$0x1ED00] =	vst v0  }
0x10c: {  	v0 =	vld [tilespmem:s14+$0x90]  }
0x10d: {  	v1 =	vld [tilespmem:s14+$0xFFFFFF90]  }
0x10e: {  	v2 =	vld [tilespmem:s14+$0x10]  }
0x10f: {  	v3 =	vld [tilespmem:s14+$0xFFFFFF10];
	_ =	sdelay $0x3  }
0x110: {  	v0 =	vmax.f32 v2, v0  }
0x111: {  	v1 =	vmax.f32 v3, v1  }
0x112: {  	v0 =	vmax.f32 v1, v0  }
0x113: {  	[tilespmem:s1+$0x1ED10] =	vst v0  }
0x114: {  	v0 =	vld [tilespmem:s14+$0xFFFFFF20]  }
0x115: {  	v1 =	vld [tilespmem:s14+$0xFFFFFFA0]  }
0x116: {  	v2 =	vld [tilespmem:s14+$0xA0]  }
0x117: {  	v3 =	vld [tilespmem:s14+$0x20];
	_ =	sdelay $0x2  }
0x118: {  	v0 =	vmax.f32 v0, v1;
	_ =	sdelay $0x1  }
0x119: {  	v1 =	vmax.f32 v3, v2  }
0x11a: {  	v0 =	vmax.f32 v0, v1  }
0x11b: {  	[tilespmem:s1+$0x1ED20] =	vst v0  }
0x11c: {  	v0 =	vld [tilespmem:s14+$0xB0]  }
0x11d: {  	v1 =	vld [tilespmem:s14+$0xFFFFFFB0]  }
0x11e: {  	v2 =	vld [tilespmem:s14+$0xFFFFFF30]  }
0x11f: {  	v3 =	vld [tilespmem:s14+$0x30];
	_ =	sdelay $0x3  }
0x120: {  	v1 =	vmax.f32 v2, v1  }
0x121: {  	v0 =	vmax.f32 v3, v0  }
0x122: {  	v0 =	vmax.f32 v1, v0  }
0x123: {  	[tilespmem:s1+$0x1ED30] =	vst v0  }
0x124: {  	v0 =	vld [tilespmem:s14+$0xC0]  }
0x125: {  	v1 =	vld [tilespmem:s14+$0xFFFFFFC0]  }
0x126: {  	v2 =	vld [tilespmem:s14+$0x40]  }
0x127: {  	v3 =	vld [tilespmem:s14+$0xFFFFFF40];
	_ =	sdelay $0x3  }
0x128: {  	v0 =	vmax.f32 v2, v0  }
0x129: {  	v1 =	vmax.f32 v3, v1  }
0x12a: {  	v0 =	vmax.f32 v1, v0  }
0x12b: {  	[tilespmem:s1+$0x1ED40] =	vst v0  }
0x12c: {  	v0 =	vld [tilespmem:s14+$0xFFFFFFD0]  }
0x12d: {  	v1 =	vld [tilespmem:s14+$0xFFFFFF50]  }
0x12e: {  	v2 =	vld [tilespmem:s14+$0xD0]  }
0x12f: {  	v3 =	vld [tilespmem:s14+$0x50];
	_ =	sdelay $0x2  }
.Ltmp5:
0x130: {  	v0 =	vmax.f32 v1, v0;
	(pc) =	sbr.rel @p1 .LBB2_11-.Ltmp5, $4  }
0x131: {  	_ = 	snop  }
0x132: {  	v1 =	vmax.f32 v3, v2  }
0x133: {  	v0 =	vmax.f32 v0, v1  }
0x134: {  	[tilespmem:s1+$0x1ED50] =	vst v0  }
0x135: {  	v0 =	vld [tilespmem:s31+$0xE0]  }
0x136: {  	v1 =	vld [tilespmem:s31+$0x60]  }
0x137: {  	v2 =	vld [tilespmem:s31+$0xFFFFFFE0]  }
0x138: {  	v3 =	vld [tilespmem:s31+$0xFFFFFF60];
	_ =	sdelay $0x4  }
0x139: {  	v2 =	vmax.f32 v3, v2;
	v0 =	vmax.f32 v1, v0  }
0x13a: {  	v0 =	vmax.f32 v2, v0  }
0x13b: {  	[tilespmem:s1+$0x1ED60] =	vst v0  }
0x13c: {  	v0 =	vld [tilespmem:s31+$0xFFFFFF70]  }
0x13d: {  	v61 =	vld [tilespmem:s31+$0xF0]  }
0x13e: {  	v62 =	vld [tilespmem:s31+$0x70]  }
0x13f: {  	v63 =	vld [tilespmem:s31+$0xFFFFFFF0]  }
0x140: {  	s0 =	smul.u32 $0x18, s30  }
0x141: {  	s29 =	sadd.s32 $0x1, s29  }
0x142: {  	p1 =	sne.s32 s29, $0x40;
	s0 =	sadd.s32 s5, s0  }
.Ltmp6:
0x143: {  	s0 =	sshll.u32 s0, $0x7;
	(pc) =	sbr.rel @p1 .LBB2_4-.Ltmp6, $4  }
0x144: {  	s0 =	sadd.s32 s9, s0;
	v1 =	vmax.f32 v62, v61;
	v0 =	vmax.f32 v0, v63  }
0x145: {  	s0 =	sshrl.u32 s0, $0x3;
	v0 =	vmax.f32 v0, v1  }
0x146: {  	s0 =	sadd.s32 s4, s0;
	[tilespmem:s1+$0x1ED70] =	vst v0  }
0x147: {  	[hbm4b:s0+s3] =	stream.linear.scatter [tilespmem:s26], [sflag:$0x3], $0xC00, $0x38;
	[tilespmem:$0x1F900] =	vst v63  }
0x148: {  	s28 =	sadd.s32 $0x1, s28  }
0x149: {  	_ =	swait.ge [sflag:s25], $0xC00;
	p1 =	sne.s32 s28, s10  }
.Ltmp7:
0x14a: {  	[sflag:s25] =	ssyncset.done $0x0;
	(pc) =	sbr.rel @p1 .LBB2_1-.Ltmp7, $4  }
0x14b: {  	[sflag:s25] =	ssyncadd.s32 $0xFFFFF400  }
0x14c: {  	_ =	swait.ge [sflag:s25], $0xC00  }
0x14d: {  	[sflag:s25] =	ssyncset.done $0x0  }
0x14e: {  	[sflag:s25] =	ssyncadd.s32 $0xFFFFF400  }
0x14f: {  	_ =	sfence.sel $0x180000  }
0x150: {  	[bflag:$0x0] =	sbarrier.arrive $0xFFFF  }
0x151: {  	_ =	strace $0x90000047  }
0x152: {  	s0 =	stileid.u32;
	[bflag:$0x2] =	sbarrier.arrive $0xFFFF  }
0x153: {  	p0 =	sne.s32 s0, $0x0;
	s0 =	rddreg [dreg:$0x3]  }
0x154: {  	s0 =	sadd.s32 @!p0 $0x100000, s0  }
0x155: {  	[sflag:s0] =	ssyncadd.tile.s32 @!p0 $0x1;
	_ =	shalt  }
.Lfunc_end2:
_tile_overlayer_lowered:
.L_overlay_start_2:
0x156: {  	(tag) =	ssettag $0x2  }
0x157: {  	s0 =	rddreg [dreg:$0x0];
	s2 =	stileid.u32  }
0x158: {  	s1 =	rddreg [dreg:$0x1];
	p0 =	sne.s32 s2, $0x0  }
0x159: {  	s3 =	rddreg [dreg:$0x2];
	[bflag:$0x3] =	sbarrier.arrive $0xFFFF;
	s2 =	simm.s32 @!p0 $0x1C04  }
0x15a: {  	[timem:s3], [sflag:s2] =	dma.local @!p0 [hbm:s0], s1  }
0x15b: {  	s0 =	simm.s32 @!p0 $0x4  }
0x15c: {  	_ =	swait.ge @!p0 [sflag:s0], s1  }
0x15d: {  	s1 =	ssub.s32 @!p0 $0x0, s1;
	[sflag:s0] =	ssyncset.done @!p0 $0x0  }
0x15e: {  	[sflag:s0] =	ssyncadd.s32 @!p0 s1  }
0x15f: {  	[bflag:$0x3] =	sbarrier.arrive $0xFFFF  }
0x160: {  	_ =	shalt  }

// kernel: sparse-core-data-format-call.1.cloned.1.call-start
scs
called_computation.1_lowered:
.L_overlay_start_0:
0x0: {  	s2 =	sld [smem:$0x3FD9]  }
0x1: {  	s3 =	sld [smem:$0x3FFE];
	_ =	sdelay $0x1  }
0x2: {  	s1 =	srdreg.scid  }
0x3: {  	s0 =	sand.u32 $0x1, s1  }
0x4: {  	s18 =	sshll.u32 s0, $0xA;
	s2 =	sadd.s32 s3, s2  }
0x5: {  	s2 =	sadd.s32 s2, s18  }
0x6: {  	[smem:$0x3FC6] =	sst s2  }
0x7: {  	_ = 	snop  }
0x8: {  	s2 =	sld [smem:$0x3FD0];
	(tm) =	ssettm $0x1  }
0x9: {  	s19 =	sld [smem:$0x3FFB];
	_ =	sdelay $0x3  }
0xa: {  	_ =	strace s19  }
0xb: {  	s3 =	sld [smem:$0x3FFC];
	_ =	sdelay $0x3  }
0xc: {  	_ =	strace s3  }
0xd: {  	s3 =	sld [smem:$0x3FFD];
	_ =	sdelay $0x3  }
0xe: {  	_ =	strace s3  }
0xf: {  	_ =	strace $0x8FFFFFFF  }
0x10: {  	s20 =	sld [smem:$0x3FDB];
	_ =	sdelay $0x1  }
0x11: {  	s4 =	simm.s32 $_scs_section_size  }
0x12: {  	s5 =	simm.s32 $_size__tile_overlayer_lowered;
	s6 =	simm.s32 $_tile_overlayer_lowered  }
0x13: {  	s23 =	simm.s32 $0x1BFF;
	s22 =	sshll.u32 s6, $0x1;
	s3 =	sadd.s32 s4, s20  }
0x14: {  	s7 =	simm.s32 $0x0;
	s21 =	sshll.u32 s5, $0x1;
	s5 =	sadd.s32 s22, s3  }
0x15: {  	[timem:s7], [sflag:s23] =	dma.local [hbm:s5], s21  }
0x16: {  	_ =	swait.ge [sflag:s23], s21  }
0x17: {  	s4 =	ssub.s32 $0x0, s21;
	[sflag:s23] =	ssyncset.done $0x0  }
0x18: {  	[sflag:s23] =	ssyncadd.s32 s4;
	_ =	sdelay $0x1  }
0x19: {  	s24 =	simm.s32 $0x1B8B  }
0x1a: {  	_ =	swait.ge [sflag:s24], $0x1  }
0x1b: {  	[sflag:s24] =	ssyncset.done $0x0  }
0x1c: {  	s26 =	simm.s32 $0x1B8E;
	s25 =	sld [smem:$0x3FFE];
	[sflag:s24] =	ssyncadd.s32 $0xFFFFFFFF  }
0x1d: {  	s27 =	simm.s32 $execute0_lowered;
	[smem:$0x3FD2] =	sst s26  }
0x1e: {  	s5 =	sshll.u32 s27, $0x1;
	_ =	strace $0x80000049;
	[dreg:$0x1] =	wrdreg $0xFFFFFFFF  }
0x1f: {  	s28 =	simm.s32 $_size_execute0_lowered;
	s3 =	sadd.s32 s3, s5;
	[dreg:$0x0] =	wrdreg $0x0  }
0x20: {  	s5 =	sshll.u32 s28, $0x1;
	[dreg:$0x2] =	wrdreg s3  }
0x21: {  	[dreg:$0x3] =	wrdreg s5  }
0x22: {  	[dreg:$0x4] =	wrdreg $0xC0  }
0x23: {  	_ =	task [dreg:s7], $0x5FFFF  }
0x24: {  	[dreg:$0x1] =	wrdreg $0xFFFFFFFF  }
0x25: {  	[dreg:$0x0] =	wrdreg $0x60  }
0x26: {  	[dreg:$0x2] =	wrdreg s2  }
0x27: {  	[dreg:$0x3] =	wrdreg s25  }
0x28: {  	[dreg:$0x4] =	wrdreg $0x9  }
0x29: {  	_ =	task.clear_ibuf [dreg:s7], $0x5FFFF;
	_ =	strace $0x90000049  }
0x2a: {  	s29 =	simm.s32 $0x9;
	_ =	strace $0x8000004B  }
0x2b: {  	_ =	swait.ge [sflag:s29], $0x1  }
0x2c: {  	[sflag:s29] =	ssyncadd.s32 $0xFFFFFFFF  }
0x2d: {  	_ =	strace $0x9000004B  }
0x2e: {  	_ =	sfence  }
0x2f: {  	s30 =	sld [smem:$0x0];
	_ =	sdelay $0x2  }
0x30: {  	s31 =	sshll.u32 s1, $0xD;
	s1 =	sshrl.u32 s1, $0x2  }
0x31: {  	s3 =	sand.u32 $0x4000, s31;
	s1 =	sadd.s32 s1, s30  }
0x32: {  	s0 =	sor.u32 s3, s0;
	s1 =	sshll.u32 s1, $0x11  }
0x33: {  	s0 =	sor.u32 s1, s0  }
0x34: {  	s0 =	sadd.s32 $0x8F2B, s0  }
0x35: {  	[sflag:s0] =	ssyncadd.remote.s32 $0x1  }
0x36: {  	_ =	sfence.sel $0xFFFF  }
0x37: {  	[dreg:$0x0] =	wrdreg $0xFFFFFFFF;
	(pc) =	sbr.abs _section_cstart, $3  }
0x38: {  	[dreg:$0x1] =	wrdreg $0xFFFFFFFF  }
0x39: {  	_ =	task.clear_ibuf [dreg:s7], $0x2FFFF;
	_ =	strace $0x9FFFFFFF  }
0x3a: {  	(tm) =	ssettm $0x7FFFFFFF  }
0x3b: {  	_ =	shalt  }
tec
execute0_lowered:
.L_overlay_start_1:
0x0: {  	(tag) =	ssettag $0x1  }
0x1: {  	s0 =	stileid.u32  }
0x2: {  	s1 =	srdreg.scid;
	s2 =	rddreg [dreg:$0x0]  }
0x3: {  	s7 =	rddreg [dreg:$0x1];
	_ =	strace $0x8000004A;
	s31 =	simm.s32 $0x2  }
0x4: {  	s18 =	simm.s32 $0x0;
	s9 =	simm.s32 $0x80;
	s10 =	simm.s32 $0x100  }
0x5: {  	s11 =	simm.s32 $0x0;
	s3 =	sshll.u32 s0, $0x6;
	s1 =	sshll.u32 s1, $0xA  }
0x6: {  	s17 =	simm.s32 $0x0;
	s1 =	sor.u32 s3, s1;
	s3 =	sand.u32 $0x1, s0  }
0x7: {  	s12 =	simm.s32 $0x0;
	s4 =	sand.u32 $0x780, s1;
	s29 =	ssub.s32 $0x2, s3  }
0x8: {  	s13 =	simm.s32 $0x0;
	s5 =	ssub.s32 $0xBF00, s4;
	s6 =	sshrl.u32 s29, $0x1  }
.Ltmp0:
0x9: {  	s1 =	sand.u32 $0x1, s29;
	s8 =	sshrl.u32 s5, $0xB;
	(pc) =	sbr.rel .LBB1_1-.Ltmp0, $4  }
0xa: {  	s16 =	simm.s32 $0x0;
	s1 =	sadd.s32 s1, s6;
	s30 =	sadd.s32 $0x1, s8  }
0xb: {  	s24 =	simm.s32 $0x0;
	s5 =	simm.s32 $0x1;
	s6 =	smul.u32 s1, s30  }
0xc: {  	s7 =	sadd.s32 $0x1000, s7;
	s15 =	smov.u32 s3;
	[sflag:s5] =	ssyncpa.u1 $0x0  }
0xd: {  	s14 =	smov.u32 s4;
	[sflag:s31] =	ssyncpa.u1 $0x0;
	s8 =	sadd.s32 $0x1, s6  }
.LBB1_11:
0xe: {  	s1 =	sshll.u32 s13, $0x4  }
0xf: {  	s1 =	sand.u32 $0x10, s1  }
0x10: {  	s20 =	sshll.u32 s12, $0x5;
	s1 =	sadd.s32 s7, s1  }
0x11: {  	s21 =	sor.u32 $0x8000, s22;
	s1 =	sadd.s32 s20, s1  }
0x12: {  	[hbm4b:s1+s9] =	stream.strided.scatter [tilespmem:s21], [sflag:$0x2], s19, s10, s9, $0x38;
	[tilespmem:$0x10000] =	vst v63  }
.LBB1_12:
0x13: {  	p0 =	slt.u32 s16, $0x2  }
0x14: {  	p1 =	sgt.s32 @!p0 s18, $0xBEE8  }
0x15: {  	s1 =	smov.u32 s18;
	s19 =	sshra.s32 @!p0 s18, $0x1F;
	p1 =	por !p1, p0  }
0x16: {  	s18 =	sand.u32 @!p0 s19, s18;
	s1 =	simm.s32 @p1 $0xBEE8  }
0x17: {  	s19 =	sshra.s32 @!p0 s17, $0x1F;
	p1 =	sgt.s32 @!p0 s17, $0x1;
	s1 =	ssub.s32 @!p0 s1, s18  }
0x18: {  	p1 =	por !p1, p0;
	s18 =	smov.u32 s17;
	s17 =	sand.u32 @!p0 s19, s17  }
0x19: {  	s21 =	smov.u32 s15;
	s18 =	simm.s32 @p1 $0x1;
	s17 =	sxor.u32 @!p0 $0xFFFFFFFF, s17  }
0x1a: {  	s19 =	sadd.s32 @!p0 $0xFFFF4118, s1;
	s1 =	ssub.s32 @!p0 $0xBF68, s1;
	s17 =	sadd.s32 @!p0 s17, s18  }
0x1b: {  	p1 =	sgt.s32 @!p0 s19, $0x7F;
	p2 =	sgt.s32 @!p0 s17, $0x0;
	s17 =	sshll.u32 @!p0 s17, $0x7  }
0x1c: {  	p1 =	por !p1, p0;
	s17 =	ssub.s32 @!p0 $0x80, s17;
	p2 =	por !p2, p0  }
0x1d: {  	s19 =	sadd.s32 $0x800, s14;
	s1 =	simm.s32 @!p1 $0x0;
	s17 =	simm.s32 @!p2 $0x0  }
0x1e: {  	p1 =	sgt.s32 s19, $0xBF67;
	s1 =	smul.u32 @!p0 s1, s17;
	s17 =	sadd.s32 $0x2, s15  }
0x1f: {  	s21 =	smov.u32 @p1 s17  }
0x20: {  	s19 =	smov.u32 @p1 s4;
	p1 =	sgt.s32 s21, $0x1  }
0x21: {  	s21 =	smov.u32 @p1 s3;
	p1 =	sne.s32 s16, s8  }
.Ltmp1:
0x22: {  	s11 =	sadd.s32 $0x4000, s11;
	s20 =	simm.s32 @!p0 $0x2;
	(pc) =	sbr.rel @!p1 .LBB1_13-.Ltmp1, $4  }
0x23: {  	s18 =	smov.u32 s12;
	s12 =	smov.u32 s14;
	s1 =	sand.u32 @!p0 $0x3FFFFF80, s1  }
0x24: {  	s14 =	smov.u32 s19;
	s17 =	smov.u32 s13;
	_ =	swait.ge @!p0 [sflag:s20], s1  }
0x25: {  	s13 =	smov.u32 s15;
	s1 =	ssub.s32 @!p0 $0x0, s1;
	[sflag:s20] =	ssyncset.done @!p0 $0x0  }
0x26: {  	s16 =	sadd.s32 $0x1, s16;
	s15 =	smov.u32 s21;
	[sflag:s20] =	ssyncadd.s32 @!p0 s1  }
.LBB1_1:
0x27: {  	p0 =	sge.u32 s16, s6;
	s21 =	smov.u32 s14;
	s23 =	smov.u32 s15  }
0x28: {  	s31 =	sadd.s32 $0xFFFFFFFF, s16;
	s1 =	sand.u32 @!p0 $0x1FFFFFF, s14;
	p1 =	sgt.s32 @!p0 s15, $0x1  }
0x29: {  	p2 =	sgt.s32 @!p0 s14, $0xBEE8;
	s20 =	sshra.s32 @!p0 s15, $0x1F;
	s22 =	sshra.s32 @!p0 s14, $0x1F  }
0x2a: {  	s19 =	smulhi.u32 @!p0 $0x1566465, s1;
	p1 =	por !p1, p0;
	p2 =	por !p2, p0  }
0x2b: {  	s20 =	sand.u32 @!p0 s20, s15;
	s22 =	sand.u32 @!p0 s22, s14;
	s21 =	simm.s32 @p2 $0xBEE8  }
0x2c: {  	s23 =	simm.s32 @p1 $0x1;
	s20 =	sxor.u32 @!p0 $0xFFFFFFFF, s20;
	s21 =	ssub.s32 @!p0 s21, s22  }
0x2d: {  	s19 =	sshrl.u32 @!p0 s19, $0x8;
	s20 =	sadd.s32 @!p0 s20, s23;
	s23 =	smul.u32 @!p0 $0xBF680, s15  }
0x2e: {  	s22 =	sadd.s32 @!p0 $0xFFFF4118, s21;
	s19 =	smul.u32 @!p0 $0xBF68, s19;
	p1 =	sgt.s32 @!p0 s20, $0x0  }
0x2f: {  	s21 =	ssub.s32 @!p0 $0xBF68, s21;
	s20 =	sshll.u32 @!p0 s20, $0x7;
	p2 =	sgt.s32 @!p0 s22, $0x7F  }
0x30: {  	s20 =	ssub.s32 @!p0 $0x80, s20;
	p1 =	por !p1, p0;
	p2 =	por !p2, p0  }
0x31: {  	s22 =	sxor.u32 @!p0 $0xFFFFFFFF, s16;
	s20 =	simm.s32 @!p1 $0x0;
	s21 =	simm.s32 @!p2 $0x0  }
0x32: {  	s1 =	ssub.s32 @!p0 s1, s19;
	s19 =	sshll.u32 @!p0 s22, $0xE;
	s20 =	smul.u32 @!p0 s21, s20  }
0x33: {  	s19 =	sand.u32 @!p0 $0x4000, s19;
	s1 =	sshll.u32 @!p0 s1, $0x4;
	s21 =	sadd.s32 @!p0 s2, s23  }
0x34: {  	s1 =	sadd.s32 @!p0 s1, s21;
	s21 =	simm.s32 @!p0 $0x0;
	s20 =	sand.u32 @!p0 $0x3FFFFF80, s20  }
0x35: {  	[tilespmem:s19], [sflag:$0x1] =	stream.linear.gather @!p0 [hbm4b:s1+s21], s20, $0x38;
	[tilespmem:$0x10000] =	vst v63  }
0x36: {  	p0 =	sge.u32 s31, s6  }
.Ltmp2:
0x37: {  	_ = 	snop;
	(pc) =	sbr.rel @p0 .LBB1_12-.Ltmp2, $1  }
0x38: {  	_ =	sdelay $0x3  }
0x39: {  	p0 =	sgt.s32 s13, $0x1;
	s1 =	smov.u32 s13  }
0x3a: {  	s19 =	sshra.s32 s13, $0x1F;
	s20 =	smov.u32 s12;
	s21 =	sshra.s32 s12, $0x1F  }
0x3b: {  	s1 =	simm.s32 @!p0 $0x1;
	s19 =	sand.u32 s19, s13;
	p0 =	sgt.s32 s12, $0xBEE8  }
0x3c: {  	s21 =	sand.u32 s21, s12;
	s19 =	sxor.u32 $0xFFFFFFFF, s19;
	s20 =	simm.s32 @!p0 $0xBEE8  }
0x3d: {  	s1 =	sadd.s32 s19, s1;
	s31 =	ssub.s32 s20, s21  }
0x3e: {  	p0 =	sgt.s32 s1, $0x0;
	s20 =	sadd.s32 $0xFFFF4118, s31;
	s1 =	sshll.u32 s1, $0x7  }
0x3f: {  	p1 =	sgt.s32 s20, $0x7F;
	s1 =	ssub.s32 $0x80, s1;
	s20 =	sadd.s32 $0x1, s13  }
0x40: {  	s21 =	sadd.s32 $0x80, s12;
	s1 =	simm.s32 @p0 $0x0;
	p0 =	slt.s32 s20, $0x2  }
0x41: {  	s20 =	simm.s32 @!p0 $0x2;
	p0 =	slt.s32 s21, $0xBF68  }
0x42: {  	s20 =	ssub.s32 s20, s13;
	s21 =	simm.s32 @!p0 $0xBF68  }
0x43: {  	s19 =	ssub.s32 $0xBF68, s31;
	s21 =	ssub.s32 s21, s12;
	p0 =	slt.s32 s20, $0x1  }
0x44: {  	s19 =	simm.s32 @p1 $0x0;
	p1 =	slt.s32 @!p0 s21, $0x1  }
0x45: {  	s1 =	smul.u32 s19, s1;
	p0 =	por p0, p1  }
.Ltmp3:
0x46: {  	_ = 	snop;
	(pc) =	sbr.rel @p0 .LBB1_11-.Ltmp3, $4  }
0x47: {  	s19 =	sand.u32 $0x3FFFFF80, s1  }
0x48: {  	_ =	swait.ge [sflag:s5], s19  }
0x49: {  	s22 =	sshll.u32 s16, $0xE;
	s1 =	ssub.s32 $0x0, s19;
	[sflag:s5] =	ssyncset.done $0x0  }
0x4a: {  	s22 =	sand.u32 $0x4000, s22;
	[sflag:s5] =	ssyncadd.s32 s1  }
0x4b: {  	s1 =	sshll.u32 s11, $0x2  }
0x4c: {  	s1 =	sand.u32 $0x10000, s1  }
0x4d: {  	s1 =	sshrl.u32 s1, $0x2  }
0x4e: {  	s25 =	simm.s32 $0x0;
	s26 =	simm.s32 $0x0;
	s23 =	sadd.s32 $0x8040, s1  }
.LBB1_4:
0x4f: {  	s1 =	sshll.u32 s26, $0x10  }
0x50: {  	s1 =	sshra.s32 s1, $0x2  }
0x51: {  	p1 =	sne.s32 s21, $0x1;
	s1 =	sadd.s32 s1, s22  }
.Ltmp4:
0x52: {  	v0 =	vmov s1;
	(pc) =	sbr.rel @!p1 .LBB1_5-.Ltmp4, $3  }
0x53: {  	_ =	sdelay $0x1  }
0x54: {  	s27 =	sand.u32 $0x80, s25;
	s29 =	sand.u32 $0x3F80, s24  }
0x55: {  	p0 =	por $0x0, $0x0;
	s27 =	sadd.s32 s27, s23;
	s1 =	sadd.s32 $0xFFFFFFFF, s21  }
0x56: {  	_ =	sdelay $0x3  }
0x57: {  	v6 =	vld.idx.msk [tilespmem:v0+s29+$0x70 ss:$0x1], $0xffff  }
0x58: {  	v7 =	vld.idx.msk [tilespmem:v0+s29+$0x0 ss:$0x1], $0xffff  }
0x59: {  	v1 =	vld.idx.msk [tilespmem:v0+s29+$0x10 ss:$0x1], $0xffff;
	p1 =	sne.s32 s1, $0x1  }
.Ltmp5:
0x5a: {  	v2 =	vld.idx.msk [tilespmem:v0+s29+$0x20 ss:$0x1], $0xffff;
	(pc) =	sbr.rel @!p1 .LBB1_7-.Ltmp5, $4  }
0x5b: {  	v3 =	vld.idx.msk [tilespmem:v0+s29+$0x30 ss:$0x1], $0xffff  }
0x5c: {  	v4 =	vld.idx.msk [tilespmem:v0+s29+$0x40 ss:$0x1], $0xffff  }
0x5d: {  	v5 =	vld.idx.msk [tilespmem:v0+s29+$0x50 ss:$0x1], $0xffff;
	s31 =	simm.s32 $0x80;
	s1 =	sadd.s32 $0xFFFFFFFF, s1;
	[tilespmem:s27+$0x30] =	vst v6  }
0x5e: {  	p0 =	por $0x1, $0x1;
	s28 =	smov.u32 s27;
	s30 =	sand.u32 $0x3F80, s31;
	[tilespmem:s27+$0xFFFFFFC0] =	vst v7;
	v6 =	vld.idx.msk [tilespmem:v0+s29+$0x60 ss:$0x1], $0xffff  }
.LBB1_8:
0x5f: {  	p1 =	sne.s32 s1, $0x1;
	v7 =	vld.idx.msk [tilespmem:v0+s30+$0x70 ss:$0x1], $0xffff;
	[tilespmem:s28+$0xFFFFFFD0] =	vst v1  }
0x60: {  	v8 =	vld.idx.msk [tilespmem:v0+s30+$0x0 ss:$0x1], $0xffff;
	[tilespmem:s28+$0xFFFFFFE0] =	vst v2  }
0x61: {  	v1 =	vld.idx.msk [tilespmem:v0+s30+$0x10 ss:$0x1], $0xffff;
	[tilespmem:s28+$0xFFFFFFF0] =	vst v3  }
.Ltmp6:
0x62: {  	v2 =	vld.idx.msk [tilespmem:v0+s30+$0x20 ss:$0x1], $0xffff;
	[tilespmem:s28+$0x0] =	vst v4;
	(pc) =	sbr.rel @p1 .LBB1_8-.Ltmp6, $4  }
0x63: {  	v3 =	vld.idx.msk [tilespmem:v0+s30+$0x30 ss:$0x1], $0xffff;
	[tilespmem:s28+$0x10] =	vst v5  }
0x64: {  	v4 =	vld.idx.msk [tilespmem:v0+s30+$0x40 ss:$0x1], $0xffff;
	[tilespmem:s28+$0x20] =	vst v6;
	s28 =	sadd.s32 $0x80, s28  }
0x65: {  	s31 =	sadd.s32 $0x80, s31;
	v5 =	vld.idx.msk [tilespmem:v0+s30+$0x50 ss:$0x1], $0xffff;
	[tilespmem:s28+$0x30] =	vst v7  }
0x66: {  	s1 =	sadd.s32 $0xFFFFFFFF, s1;
	[tilespmem:s28+$0xFFFFFFC0] =	vst v8;
	v6 =	vld.idx.msk [tilespmem:v0+s30+$0x60 ss:$0x1], $0xffff;
	s30 =	sand.u32 $0x3F80, s31  }
0x67: {  	s29 =	smov.u32 s30  }
.LBB1_10:
0x68: {  	_ =	sdelay $0x2  }
0x69: {  	[tilespmem:s28+$0xFFFFFFD0] =	vst @p0 v1  }
0x6a: {  	v56 =	vld.idx.msk [tilespmem:v0+s29+$0x70 ss:$0x1], $0xffff;
	[tilespmem:s28+$0xFFFFFFE0] =	vst @p0 v2  }
0x6b: {  	v57 =	vld.idx.msk [tilespmem:v0+s29+$0x0 ss:$0x1], $0xffff;
	[tilespmem:s28+$0xFFFFFFF0] =	vst @p0 v3  }
0x6c: {  	v58 =	vld.idx.msk [tilespmem:v0+s29+$0x10 ss:$0x1], $0xffff;
	[tilespmem:s28+$0x0] =	vst @p0 v4  }
0x6d: {  	v59 =	vld.idx.msk [tilespmem:v0+s29+$0x20 ss:$0x1], $0xffff;
	s1 =	sadd.s32 @p0 $0x80, s28;
	[tilespmem:s28+$0x10] =	vst @p0 v5  }
0x6e: {  	v60 =	vld.idx.msk [tilespmem:v0+s29+$0x30 ss:$0x1], $0xffff;
	s27 =	smov.u32 @p0 s1;
	[tilespmem:s28+$0x20] =	vst @p0 v6  }
0x6f: {  	v61 =	vld.idx.msk [tilespmem:v0+s29+$0x40 ss:$0x1], $0xffff;
	[tilespmem:s27+$0x30] =	vst v56  }
0x70: {  	v62 =	vld.idx.msk [tilespmem:v0+s29+$0x50 ss:$0x1], $0xffff;
	s26 =	sadd.s32 $0x1, s26;
	[tilespmem:s27+$0xFFFFFFC0] =	vst v57  }
0x71: {  	v63 =	vld.idx.msk [tilespmem:v0+s29+$0x60 ss:$0x1], $0xffff;
	p0 =	sne.s32 s26, s20;
	[tilespmem:s27+$0xFFFFFFD0] =	vst v58  }
.Ltmp7:
0x72: {  	[tilespmem:s27+$0xFFFFFFE0] =	vst v59;
	(pc) =	sbr.rel @p0 .LBB1_4-.Ltmp7, $4  }
.Ltmp8:
0x73: {  	[tilespmem:s27+$0xFFFFFFF0] =	vst v60;
	(pc) =	sbr.rel @!p0 .LBB1_11-.Ltmp8, $4  }
0x74: {  	[tilespmem:s27+$0x0] =	vst v61  }
0x75: {  	[tilespmem:s27+$0x10] =	vst v62  }
0x76: {  	s25 =	sadd.s32 $0x80, s25;
	[tilespmem:s27+$0x20] =	vst v63  }
0x77: {  	_ = 	snop  }
.LBB1_5:
.Ltmp9:
0x78: {  	(pc) =	sbr.rel .LBB1_10-.Ltmp9, $2  }
0x79: {  	_ =	sdelay $0x2  }
0x7a: {  	s28 =	smov.u32 s27  }
.LBB1_7:
.Ltmp10:
0x7b: {  	(pc) =	sbr.rel .LBB1_10-.Ltmp10, $2  }
0x7c: {  	_ =	sdelay $0x2  }
0x7d: {  	s29 =	smov.u32 s30;
	s28 =	smov.u32 s27  }
.LBB1_13:
0x7e: {  	_ =	sfence.sel $0x180000  }
0x7f: {  	s1 =	simm.s32 $0x1;
	[bflag:$0x0] =	sbarrier.arrive $0xFFFF  }
0x80: {  	s31 =	simm.s32 $0x2;
	[sflag:s1] =	ssyncpa.u1 $0x1  }
0x81: {  	[sflag:s31] =	ssyncpa.u1 $0x1  }
0x82: {  	_ =	strace $0x9000004A  }
0x83: {  	[bflag:$0x2] =	sbarrier.arrive $0xFFFF  }
0x84: {  	p0 =	sne.s32 s0, $0x0;
	s0 =	rddreg [dreg:$0x2]  }
0x85: {  	s0 =	sadd.s32 @!p0 $0x100000, s0  }
0x86: {  	[sflag:s0] =	ssyncadd.tile.s32 @!p0 $0x1;
	_ =	shalt  }
.Lfunc_end1:
_tile_overlayer_lowered:
.L_overlay_start_2:
0x87: {  	(tag) =	ssettag $0x2  }
0x88: {  	s0 =	rddreg [dreg:$0x0];
	s2 =	stileid.u32  }
0x89: {  	s1 =	rddreg [dreg:$0x1];
	p0 =	sne.s32 s2, $0x0  }
0x8a: {  	s3 =	rddreg [dreg:$0x2];
	[bflag:$0x3] =	sbarrier.arrive $0xFFFF;
	s2 =	simm.s32 @!p0 $0x1C01  }
0x8b: {  	[timem:s3], [sflag:s2] =	dma.local @!p0 [hbm:s0], s1  }
0x8c: {  	s0 =	simm.s32 @!p0 $0x1  }
0x8d: {  	_ =	swait.ge @!p0 [sflag:s0], s1  }
0x8e: {  	s1 =	ssub.s32 @!p0 $0x0, s1;
	[sflag:s0] =	ssyncset.done @!p0 $0x0  }
0x8f: {  	[sflag:s0] =	ssyncadd.s32 @!p0 s1  }
0x90: {  	[bflag:$0x3] =	sbarrier.arrive $0xFFFF  }
0x91: {  	_ =	shalt  }

// kernel: sparse-core-data-format-call.cloned.1.call-start
scs
called_computation_lowered:
.L_overlay_start_0:
0x0: {  	s2 =	sld [smem:$0x3FD9]  }
0x1: {  	s3 =	sld [smem:$0x3FFE];
	_ =	sdelay $0x1  }
0x2: {  	s1 =	srdreg.scid  }
0x3: {  	s0 =	sand.u32 $0x1, s1  }
0x4: {  	s18 =	sshll.u32 s0, $0xA;
	s2 =	sadd.s32 s3, s2  }
0x5: {  	s2 =	sadd.s32 s2, s18  }
0x6: {  	[smem:$0x3FC6] =	sst s2  }
0x7: {  	_ = 	snop  }
0x8: {  	s2 =	sld [smem:$0x3FD0];
	(tm) =	ssettm $0x1  }
0x9: {  	s19 =	sld [smem:$0x3FFB];
	_ =	sdelay $0x3  }
0xa: {  	_ =	strace s19  }
0xb: {  	s3 =	sld [smem:$0x3FFC];
	_ =	sdelay $0x3  }
0xc: {  	_ =	strace s3  }
0xd: {  	s3 =	sld [smem:$0x3FFD];
	_ =	sdelay $0x3  }
0xe: {  	_ =	strace s3  }
0xf: {  	_ =	strace $0x8FFFFFFF  }
0x10: {  	s20 =	sld [smem:$0x3FDB];
	_ =	sdelay $0x1  }
0x11: {  	s4 =	simm.s32 $_scs_section_size  }
0x12: {  	s5 =	simm.s32 $_size__tile_overlayer_lowered;
	s6 =	simm.s32 $_tile_overlayer_lowered  }
0x13: {  	s23 =	simm.s32 $0x1BFF;
	s22 =	sshll.u32 s6, $0x1;
	s3 =	sadd.s32 s4, s20  }
0x14: {  	s7 =	simm.s32 $0x0;
	s21 =	sshll.u32 s5, $0x1;
	s5 =	sadd.s32 s22, s3  }
0x15: {  	[timem:s7], [sflag:s23] =	dma.local [hbm:s5], s21  }
0x16: {  	_ =	swait.ge [sflag:s23], s21  }
0x17: {  	s4 =	ssub.s32 $0x0, s21;
	[sflag:s23] =	ssyncset.done $0x0  }
0x18: {  	[sflag:s23] =	ssyncadd.s32 s4;
	_ =	sdelay $0x1  }
0x19: {  	s24 =	simm.s32 $0x1B8B  }
0x1a: {  	_ =	swait.ge [sflag:s24], $0x1  }
0x1b: {  	[sflag:s24] =	ssyncset.done $0x0  }
0x1c: {  	s26 =	simm.s32 $0x1B8E;
	s25 =	sld [smem:$0x3FFE];
	[sflag:s24] =	ssyncadd.s32 $0xFFFFFFFF  }
0x1d: {  	s27 =	simm.s32 $execute0_lowered;
	[smem:$0x3FD2] =	sst s26  }
0x1e: {  	s5 =	sshll.u32 s27, $0x1;
	_ =	strace $0x8000004C;
	[dreg:$0x1] =	wrdreg $0xFFFFFFFF  }
0x1f: {  	s28 =	simm.s32 $_size_execute0_lowered;
	s3 =	sadd.s32 s3, s5;
	[dreg:$0x0] =	wrdreg $0x0  }
0x20: {  	s5 =	sshll.u32 s28, $0x1;
	[dreg:$0x2] =	wrdreg s3  }
0x21: {  	[dreg:$0x3] =	wrdreg s5  }
0x22: {  	[dreg:$0x4] =	wrdreg $0xC0  }
0x23: {  	_ =	task [dreg:s7], $0x5FFFF  }
0x24: {  	[dreg:$0x1] =	wrdreg $0xFFFFFFFF  }
0x25: {  	[dreg:$0x0] =	wrdreg $0x60  }
0x26: {  	[dreg:$0x2] =	wrdreg s25  }
0x27: {  	[dreg:$0x3] =	wrdreg s2  }
0x28: {  	[dreg:$0x4] =	wrdreg $0x9  }
0x29: {  	_ =	task.clear_ibuf [dreg:s7], $0x5FFFF;
	_ =	strace $0x9000004C  }
0x2a: {  	s29 =	simm.s32 $0x9;
	_ =	strace $0x8000004E  }
0x2b: {  	_ =	swait.ge [sflag:s29], $0x1  }
0x2c: {  	[sflag:s29] =	ssyncadd.s32 $0xFFFFFFFF  }
0x2d: {  	_ =	strace $0x9000004E  }
0x2e: {  	_ =	sfence  }
0x2f: {  	s30 =	sld [smem:$0x0];
	_ =	sdelay $0x2  }
0x30: {  	s31 =	sshll.u32 s1, $0xD;
	s1 =	sshrl.u32 s1, $0x2  }
0x31: {  	s3 =	sand.u32 $0x4000, s31;
	s1 =	sadd.s32 s1, s30  }
0x32: {  	s0 =	sor.u32 s3, s0;
	s1 =	sshll.u32 s1, $0x11  }
0x33: {  	s0 =	sor.u32 s1, s0  }
0x34: {  	s0 =	sadd.s32 $0x8F2B, s0  }
0x35: {  	[sflag:s0] =	ssyncadd.remote.s32 $0x1  }
0x36: {  	_ =	sfence.sel $0xFFFF  }
0x37: {  	[dreg:$0x0] =	wrdreg $0xFFFFFFFF;
	(pc) =	sbr.abs _section_cstart, $3  }
0x38: {  	[dreg:$0x1] =	wrdreg $0xFFFFFFFF  }
0x39: {  	_ =	task.clear_ibuf [dreg:s7], $0x2FFFF;
	_ =	strace $0x9FFFFFFF  }
0x3a: {  	(tm) =	ssettm $0x7FFFFFFF  }
0x3b: {  	_ =	shalt  }
tec
execute0_lowered:
.L_overlay_start_1:
0x0: {  	(tag) =	ssettag $0x1  }
0x1: {  	s0 =	srdreg.scid  }
0x2: {  	s1 =	rddreg [dreg:$0x0];
	s4 =	stileid.u32  }
0x3: {  	_ =	strace $0x8000004D;
	s3 =	simm.s32 $0x1C;
	s30 =	simm.s32 $0x1  }
0x4: {  	s31 =	simm.s32 $0x2;
	s20 =	simm.s32 $0x0;
	s12 =	simm.s32 $0x0  }
0x5: {  	s22 =	simm.s32 $0x0;
	s21 =	simm.s32 $0x0;
	s23 =	simm.s32 $0x0  }
0x6: {  	s13 =	simm.s32 $0x0;
	s14 =	simm.s32 $0x0;
	s0 =	sshll.u32 s0, $0x7  }
0x7: {  	s15 =	simm.s32 $0x0;
	s16 =	simm.s32 $0x0;
	s5 =	sand.u32 $0x80, s0  }
0x8: {  	s19 =	simm.s32 $0x0;
	s7 =	sshrl.u32 s4, $0x3;
	s0 =	ssub.s32 $0x100, s5  }
0x9: {  	s29 =	sshll.u32 s4, $0x7;
	p0 =	seq.s32 s7, $0x0;
	s2 =	sshrl.u32 s0, $0x7  }
0xa: {  	s8 =	sand.u32 $0x380, s29;
	s0 =	sshrl.u32 s0, $0x8;
	s2 =	sand.u32 $0x1, s2  }
.Ltmp0:
0xb: {  	s3 =	simm.s32 @!p0 $0x15;
	s0 =	sadd.s32 s0, s2;
	(pc) =	sbr.rel .LBB1_1-.Ltmp0, $4  }
0xc: {  	[dreg:$0x3] =	wrdreg s7;
	s1 =	sadd.s32 s5, s1;
	s6 =	smul.u32 s3, s0  }
0xd: {  	[sflag:s30] =	ssyncpa.u1 $0x0;
	[dreg:$0x4] =	wrdreg s8;
	s9 =	sadd.s32 $0x17FE00, s1  }
0xe: {  	[sflag:s31] =	ssyncpa.u1 $0x0;
	[dreg:$0x5] =	wrdreg s9;
	s10 =	sadd.s32 $0x1, s6  }
0xf: {  	s17 =	smov.u32 s7;
	s18 =	smov.u32 s8;
	[dreg:$0x6] =	wrdreg s10  }
.LBB1_11:
0x10: {  	s0 =	sshll.u32 s15, $0x8;
	s1 =	sshll.u32 s23, $0x3;
	s26 =	smul.u32 $0x36B00, s14  }
0x11: {  	s2 =	sshll.u32 s15, $0x7;
	p0 =	sgt.s32 s13, $0x6;
	s27 =	smul.u32 $0x7D00, s13  }
0x12: {  	s4 =	sshll.u32 s15, $0x4;
	s5 =	rddreg [dreg:$0x1];
	s0 =	sand.u32 $0xFFFFF800, s0  }
0x13: {  	s28 =	sshll.u32 s19, $0xE;
	s11 =	sand.u32 $0x300, s2;
	s0 =	sor.u32 s0, s1  }
0x14: {  	s30 =	simm.s32 $0x400;
	s31 =	simm.s32 $0x800;
	s0 =	sor.u32 s11, s0  }
0x15: {  	s8 =	rddreg [dreg:$0x4];
	s2 =	smov.u32 s13;
	s0 =	sshrl.u32 s0, $0x8  }
0x16: {  	s9 =	rddreg [dreg:$0x5];
	s2 =	simm.s32 @!p0 $0x6;
	s23 =	smulhi.u32 $0x83126F, s0  }
0x17: {  	s10 =	rddreg [dreg:$0x6];
	s4 =	sand.u32 $0x10, s4;
	s2 =	sadd.s32 s24, s2  }
0x18: {  	s29 =	sand.u32 $0x4000, s28;
	s3 =	sadd.s32 $0xFFFFFFFA, s2;
	s1 =	sshrl.u32 s23, $0x1  }
0x19: {  	s2 =	ssub.s32 $0x7, s2;
	p0 =	sgt.s32 s3, $0x0;
	s1 =	smul.u32 $0x3E8, s1  }
0x1a: {  	s3 =	sadd.s32 s5, s26;
	s5 =	smov.u32 s7;
	s2 =	simm.s32 @p0 $0x0  }
0x1b: {  	s2 =	smul.u32 s2, s25;
	s0 =	ssub.s32 s0, s1;
	s1 =	sadd.s32 s27, s3  }
0x1c: {  	s7 =	rddreg [dreg:$0x3];
	s0 =	sshll.u32 s0, $0x5;
	s1 =	sadd.s32 s4, s1  }
0x1d: {  	s2 =	sand.u32 $0x3FFFFF80, s2;
	s3 =	sor.u32 $0x8000, s29;
	s0 =	sadd.s32 s0, s1  }
0x1e: {  	[hbm4b:s0+s30] =	stream.strided.scatter [tilespmem:s3], [sflag:$0x2], s2, s31, s30, $0x38;
	[tilespmem:$0x10000] =	vst v63  }
.LBB1_12:
0x1f: {  	p0 =	slt.u32 s19, $0x2  }
0x20: {  	p1 =	sgt.s32 @!p0 s22, $0x6  }
0x21: {  	s0 =	smov.u32 s22;
	s1 =	sshra.s32 @!p0 s22, $0x1F;
	p1 =	por !p1, p0  }
0x22: {  	s1 =	sand.u32 @!p0 s1, s22;
	s0 =	simm.s32 @p1 $0x6  }
0x23: {  	s0 =	ssub.s32 @!p0 s0, s1  }
0x24: {  	s3 =	smov.u32 s20;
	s1 =	sadd.s32 @!p0 $0xFFFFFFFA, s0  }
0x25: {  	s4 =	smov.u32 s17;
	p2 =	sgt.s32 @!p0 s21, $0x368;
	p1 =	sgt.s32 @!p0 s1, $0x0  }
0x26: {  	s2 =	sshra.s32 @!p0 s21, $0x1F;
	s0 =	ssub.s32 @!p0 $0x7, s0;
	p1 =	por !p1, p0  }
0x27: {  	s1 =	smov.u32 s21;
	s0 =	simm.s32 @!p1 $0x0;
	p1 =	por !p2, p0  }
0x28: {  	s2 =	sand.u32 @!p0 s2, s21;
	p2 =	sgt.s32 @!p0 s20, $0x6;
	s1 =	simm.s32 @p1 $0x368  }
0x29: {  	p1 =	por !p2, p0;
	s1 =	ssub.s32 @!p0 s1, s2;
	s2 =	sshra.s32 @!p0 s20, $0x1F  }
0x2a: {  	s3 =	simm.s32 @p1 $0x6;
	s2 =	sand.u32 @!p0 s2, s20;
	s1 =	sadd.s32 @!p0 $0xFFFFFC98, s1  }
0x2b: {  	s2 =	ssub.s32 @!p0 s3, s2;
	p1 =	sgt.s32 @!p0 s1, $0x7F;
	s1 =	sshll.u32 @!p0 s1, $0x7  }
0x2c: {  	s3 =	sadd.s32 @!p0 $0xFFFFFFFA, s2;
	s1 =	ssub.s32 @!p0 $0x4000, s1;
	p1 =	por !p1, p0  }
0x2d: {  	s2 =	ssub.s32 @!p0 $0x7, s2;
	p2 =	sgt.s32 @!p0 s3, $0x0;
	s1 =	simm.s32 @!p1 $0x0  }
0x2e: {  	p1 =	por !p2, p0;
	s0 =	smul.u32 @!p0 s0, s1;
	s1 =	sadd.s32 $0x1, s16  }
0x2f: {  	s3 =	sadd.s32 $0x2, s17;
	s2 =	simm.s32 @!p1 $0x0;
	p1 =	sgt.s32 s1, $0x6  }
0x30: {  	s12 =	sadd.s32 $0x4000, s12;
	s0 =	smul.u32 @!p0 s2, s0;
	s4 =	smov.u32 @p1 s3  }
0x31: {  	s2 =	sadd.s32 $0x400, s18;
	s3 =	smov.u32 s18;
	p2 =	sgt.s32 s4, $0x6  }
0x32: {  	s23 =	smov.u32 s5;
	s22 =	smov.u32 s14;
	s3 =	smov.u32 @p2 s2  }
0x33: {  	s14 =	smov.u32 s17;
	s1 =	simm.s32 @p1 $0x0;
	p1 =	sgt.s32 s3, $0x3E7  }
0x34: {  	s21 =	smov.u32 s15;
	s3 =	smov.u32 @p1 s8;
	p1 =	sne.s32 s19, s10  }
.Ltmp1:
0x35: {  	s15 =	smov.u32 s18;
	s20 =	smov.u32 s13;
	(pc) =	sbr.rel @!p1 .LBB1_13-.Ltmp1, $4  }
0x36: {  	s13 =	smov.u32 s16;
	s0 =	sand.u32 @!p0 $0x3FFFFF80, s0;
	s2 =	simm.s32 @!p0 $0x2  }
0x37: {  	s16 =	smov.u32 s1;
	s4 =	smov.u32 @p2 s7;
	_ =	swait.ge @!p0 [sflag:s2], s0  }
0x38: {  	s0 =	ssub.s32 @!p0 $0x0, s0;
	s17 =	smov.u32 s4;
	[sflag:s2] =	ssyncset.done @!p0 $0x0  }
0x39: {  	s19 =	sadd.s32 $0x1, s19;
	[sflag:s2] =	ssyncadd.s32 @!p0 s0;
	s18 =	smov.u32 s3  }
.LBB1_1:
0x3a: {  	p0 =	sge.u32 s19, s6;
	s0 =	smov.u32 s18;
	s3 =	smov.u32 s17  }
0x3b: {  	s31 =	sadd.s32 $0xFFFFFFFF, s19;
	p1 =	sgt.s32 @!p0 s18, $0x368;
	s1 =	sxor.u32 @!p0 $0xFFFFFFFF, s19  }
0x3c: {  	s2 =	sshra.s32 @!p0 s18, $0x1F;
	s4 =	sshra.s32 @!p0 s17, $0x1F;
	p1 =	por !p1, p0  }
0x3d: {  	s2 =	sand.u32 @!p0 s2, s18;
	s0 =	simm.s32 @p1 $0x368;
	p1 =	sgt.s32 @!p0 s17, $0x6  }
0x3e: {  	s4 =	sand.u32 @!p0 s4, s17;
	p1 =	por !p1, p0;
	s0 =	ssub.s32 @!p0 s0, s2  }
0x3f: {  	s3 =	simm.s32 @p1 $0x6;
	p1 =	sgt.s32 @!p0 s16, $0x7;
	s0 =	sadd.s32 @!p0 $0xFFFFFC98, s0  }
0x40: {  	s2 =	ssub.s32 @!p0 s3, s4;
	p1 =	por !p1, p0;
	s4 =	smov.u32 s16  }
0x41: {  	s3 =	sadd.s32 @!p0 $0xFFFFFFFA, s2;
	s4 =	simm.s32 @p1 $0x7;
	p1 =	sgt.s32 @!p0 s0, $0x7F  }
0x42: {  	s0 =	sshll.u32 @!p0 s0, $0x7;
	p2 =	sgt.s32 @!p0 s3, $0x0;
	s3 =	sshra.s32 @!p0 s16, $0x1F  }
0x43: {  	s2 =	ssub.s32 @!p0 $0x7, s2;
	s0 =	ssub.s32 @!p0 $0x4000, s0;
	s3 =	sand.u32 @!p0 s3, s16  }
0x44: {  	p1 =	por !p1, p0;
	p2 =	por !p2, p0;
	s3 =	ssub.s32 @!p0 s4, s3  }
0x45: {  	s0 =	simm.s32 @!p1 $0x0;
	s2 =	simm.s32 @!p2 $0x0;
	s4 =	sadd.s32 @!p0 $0xFFFFFFF9, s3  }
0x46: {  	s1 =	sshll.u32 @!p0 s1, $0xE;
	s0 =	smul.u32 @!p0 s2, s0;
	p2 =	sgt.s32 @!p0 s4, $0x0  }
0x47: {  	s3 =	ssub.s32 @!p0 $0x8, s3;
	s2 =	smul.u32 @!p0 $0x700, s18;
	p1 =	por !p2, p0  }
0x48: {  	s1 =	sand.u32 @!p0 $0x4000, s1;
	s4 =	sshll.u32 @!p0 s16, $0x4;
	s3 =	simm.s32 @!p1 $0x0  }
0x49: {  	s2 =	sadd.s32 @!p0 s2, s9;
	s0 =	smul.u32 @!p0 s3, s0;
	s3 =	sshll.u32 @!p0 s17, $0x8  }
0x4a: {  	s4 =	sand.u32 @!p0 $0x70, s4;
	s2 =	sadd.s32 @!p0 s3, s2;
	s3 =	simm.s32 @!p0 $0x80  }
0x4b: {  	s0 =	sand.u32 @!p0 $0x3FFFFF80, s0;
	s2 =	sadd.s32 @!p0 s4, s2;
	s4 =	simm.s32 @!p0 $0x3800  }
0x4c: {  	[tilespmem:s1], [sflag:$0x1] =	stream.strided.gather @!p0 [hbm4b:s2+s3], s0, s4, s3, $0x38;
	[tilespmem:$0x10000] =	vst v63  }
0x4d: {  	p0 =	sge.u32 s31, s6  }
.Ltmp2:
0x4e: {  	_ = 	snop;
	(pc) =	sbr.rel @p0 .LBB1_12-.Ltmp2, $1  }
0x4f: {  	_ =	sdelay $0x3  }
0x50: {  	p0 =	sgt.s32 s15, $0x368  }
0x51: {  	s0 =	smov.u32 s15;
	s1 =	sshra.s32 s15, $0x1F;
	s2 =	sshra.s32 s14, $0x1F  }
0x52: {  	s24 =	ssub.s32 $0x0, s13;
	s25 =	sshra.s32 s13, $0x1F;
	p1 =	sgt.s32 s13, $0x7  }
0x53: {  	s4 =	smov.u32 s13;
	s0 =	simm.s32 @!p0 $0x368;
	s1 =	sand.u32 s1, s15  }
0x54: {  	p0 =	sgt.s32 s14, $0x6;
	s0 =	ssub.s32 s0, s1;
	s1 =	smov.u32 s14  }
0x55: {  	s2 =	sand.u32 s2, s14;
	s24 =	sand.u32 s24, s25;
	s1 =	simm.s32 @!p0 $0x6  }
0x56: {  	s4 =	simm.s32 @!p1 $0x7;
	s3 =	sadd.s32 $0xFFFFFC98, s0;
	s1 =	ssub.s32 s1, s2  }
0x57: {  	s0 =	ssub.s32 $0x3E8, s0;
	p0 =	sgt.s32 s3, $0x7F;
	s26 =	sadd.s32 $0xFFFFFFFA, s1  }
0x58: {  	s2 =	sadd.s32 s24, s4;
	s1 =	ssub.s32 $0x7, s1;
	p1 =	sgt.s32 s26, $0x0  }
0x59: {  	s0 =	simm.s32 @p0 $0x0;
	s29 =	sadd.s32 $0xFFFFFFF9, s2;
	s1 =	simm.s32 @p1 $0x0  }
0x5a: {  	p0 =	sgt.s32 s29, $0x0;
	s0 =	smul.u32 s0, s1;
	s1 =	ssub.s32 $0x8, s2  }
0x5b: {  	s2 =	sadd.s32 $0x80, s15;
	s1 =	simm.s32 @p0 $0x0  }
0x5c: {  	p0 =	slt.s32 s2, $0x3E8;
	s25 =	sshll.u32 s0, $0x7;
	s0 =	sadd.s32 $0x1, s14  }
0x5d: {  	s2 =	simm.s32 @!p0 $0x3E8;
	p0 =	slt.s32 s0, $0x7  }
0x5e: {  	s26 =	ssub.s32 s2, s15;
	s2 =	sadd.s32 $0x1, s13;
	s0 =	simm.s32 @!p0 $0x7  }
0x5f: {  	p0 =	slt.s32 s2, $0x7;
	p1 =	slt.s32 s26, $0x1;
	s27 =	ssub.s32 s0, s14  }
0x60: {  	s2 =	simm.s32 @!p0 $0x7;
	p0 =	slt.s32 @!p1 s27, $0x1  }
0x61: {  	s28 =	ssub.s32 s2, s13;
	p0 =	por p1, p0  }
0x62: {  	p1 =	slt.s32 @!p0 s28, $0x1  }
0x63: {  	s1 =	smul.u32 s1, s25;
	p0 =	por p0, p1  }
.Ltmp3:
0x64: {  	_ = 	snop;
	(pc) =	sbr.rel @p0 .LBB1_11-.Ltmp3, $4  }
0x65: {  	s31 =	simm.s32 $0x1;
	s30 =	sand.u32 $0x3FFFFF80, s1  }
0x66: {  	_ =	swait.ge [sflag:s31], s30  }
0x67: {  	s0 =	ssub.s32 $0x0, s30;
	[sflag:s31] =	ssyncset.done $0x0  }
0x68: {  	s7 =	smov.u32 s5;
	[sflag:s31] =	ssyncadd.s32 s0  }
0x69: {  	s0 =	sshll.u32 s12, $0x2  }
0x6a: {  	s0 =	sand.u32 $0x10000, s0  }
0x6b: {  	s29 =	sshrl.u32 s0, $0x2  }
0x6c: {  	s2 =	simm.s32 $0x0;
	s0 =	simm.s32 $0x0;
	s30 =	sor.u32 $0x8000, s29  }
.LBB1_4:
0x6d: {  	s1 =	sand.u32 $0x3F80, s0  }
0x6e: {  	s31 =	smov.u32 s2;
	s10 =	simm.s32 $0x0;
	s4 =	sadd.s32 s1, s30  }
.LBB1_5:
0x6f: {  	s11 =	simm.s32 $0x0;
	s5 =	smov.u32 s4;
	s8 =	simm.s32 $0x0  }
.LBB1_6:
0x70: {  	s1 =	sand.u32 $0x7, s11  }
0x71: {  	s1 =	sadd.s32 s1, s31  }
0x72: {  	s1 =	sshll.u32 s1, $0x9  }
0x73: {  	s1 =	sshra.s32 s1, $0x2  }
0x74: {  	s3 =	simm.s32 $0xFFFFFFF0;
	s9 =	sadd.s32 s1, s29;
	s1 =	smov.u32 s5  }
.LBB1_7:
0x75: {  	s3 =	sadd.s32 $0x10, s3  }
0x76: {  	v0 =	vld [tilespmem:s9+$0x0];
	p0 =	slt.u32 s3, $0x70  }
.Ltmp4:
0x77: {  	_ = 	snop;
	(pc) =	sbr.rel @p0 .LBB1_7-.Ltmp4, $2  }
0x78: {  	_ =	sdelay $0x2  }
0x79: {  	s9 =	sadd.s32 $0x10, s9;
	[tilespmem:s1+$0x0] =	vst v0;
	s1 =	sadd.s32 $0x10, s1  }
0x7a: {  	s8 =	sadd.s32 $0x1, s8  }
0x7b: {  	p0 =	sne.s32 s8, s28  }
.Ltmp5:
0x7c: {  	_ = 	snop;
	(pc) =	sbr.rel @p0 .LBB1_6-.Ltmp5, $2  }
0x7d: {  	_ =	sdelay $0x2  }
0x7e: {  	s5 =	sadd.s32 $0x4000, s5;
	s11 =	sadd.s32 $0x1, s11  }
0x7f: {  	s10 =	sadd.s32 $0x1, s10  }
0x80: {  	p0 =	sne.s32 s10, s27  }
.Ltmp6:
0x81: {  	_ = 	snop;
	(pc) =	sbr.rel @p0 .LBB1_5-.Ltmp6, $2  }
0x82: {  	_ =	sdelay $0x2  }
0x83: {  	s4 =	sadd.s32 $0x4000, s4;
	s31 =	sadd.s32 $0x1, s31  }
0x84: {  	s2 =	sadd.s32 $0x1, s2  }
0x85: {  	p0 =	sne.s32 s2, s26  }
.Ltmp7:
0x86: {  	_ = 	snop;
	(pc) =	sbr.rel @p0 .LBB1_4-.Ltmp7, $4  }
.Ltmp8:
0x87: {  	_ = 	snop;
	(pc) =	sbr.rel @!p0 .LBB1_11-.Ltmp8, $4  }
0x88: {  	_ = 	snop  }
0x89: {  	_ = 	snop  }
0x8a: {  	s0 =	sadd.s32 $0x80, s0  }
0x8b: {  	_ = 	snop  }
.LBB1_13:
0x8c: {  	_ =	sfence.sel $0x180000  }
0x8d: {  	s0 =	simm.s32 $0x1;
	[bflag:$0x0] =	sbarrier.arrive $0xFFFF  }
0x8e: {  	s30 =	simm.s32 $0x2;
	[sflag:s0] =	ssyncpa.u1 $0x1  }
0x8f: {  	[sflag:s30] =	ssyncpa.u1 $0x1  }
0x90: {  	_ =	strace $0x9000004D  }
0x91: {  	s31 =	stileid.u32;
	[bflag:$0x2] =	sbarrier.arrive $0xFFFF  }
0x92: {  	p0 =	sne.s32 s31, $0x0;
	s0 =	rddreg [dreg:$0x2]  }
0x93: {  	s0 =	sadd.s32 @!p0 $0x100000, s0  }
0x94: {  	[sflag:s0] =	ssyncadd.tile.s32 @!p0 $0x1;
	_ =	shalt  }
.Lfunc_end1:
_tile_overlayer_lowered:
.L_overlay_start_2:
0x95: {  	(tag) =	ssettag $0x2  }
0x96: {  	s0 =	rddreg [dreg:$0x0];
	s2 =	stileid.u32  }
0x97: {  	s1 =	rddreg [dreg:$0x1];
	p0 =	sne.s32 s2, $0x0  }
0x98: {  	s3 =	rddreg [dreg:$0x2];
	[bflag:$0x3] =	sbarrier.arrive $0xFFFF;
	s2 =	simm.s32 @!p0 $0x1C01  }
0x99: {  	[timem:s3], [sflag:s2] =	dma.local @!p0 [hbm:s0], s1  }
0x9a: {  	s0 =	simm.s32 @!p0 $0x1  }
0x9b: {  	_ =	swait.ge @!p0 [sflag:s0], s1  }
0x9c: {  	s1 =	ssub.s32 @!p0 $0x0, s1;
	[sflag:s0] =	ssyncset.done @!p0 $0x0  }
0x9d: {  	[sflag:s0] =	ssyncadd.s32 @!p0 s1  }
0x9e: {  	[bflag:$0x3] =	sbarrier.arrive $0xFFFF  }
0x9f: {  	_ =	shalt  }

</sc_bundles>
